<compile_context>
chip_gen: v7x
topology: tpu7x:2x2x1
jax: 0.10.2.dev20260603
libtpu: 0.0.44.dev20260713+nightly
codegen_flags: <defaults>
</compile_context>

<pallas_src>
import functools

import jax
import jax.numpy as jnp
from jax import lax
from jax.experimental import pallas as pl
from jax.experimental.pallas import tpu as pltpu
from jax.experimental.pallas import tpu_sc as plsc

_EPS = 1e-5
_CHUNK = 64
_NBUF = 6
_BC = 4096


@functools.cache
def _build_gather(B, D):
    info = plsc.get_sparse_core_info()
    NC, NS = info.num_cores, info.num_subcores
    NW = NC * NS
    b_per_w = B // NW
    n_chunks = b_per_w // _CHUNK
    nbuf = min(_NBUF, n_chunks)
    mesh = plsc.VectorSubcoreMesh(core_axis_name="c", subcore_axis_name="s")

    @functools.partial(
        pl.kernel,
        mesh=mesh,
        out_type=jax.ShapeDtypeStruct((B, D), jnp.float32),
        scratch_types=[
            pltpu.VMEM((b_per_w,), jnp.int32),
            pltpu.VMEM((nbuf, _CHUNK, D), jnp.float32),
            pltpu.SemaphoreType.DMA,
            pltpu.SemaphoreType.DMA,
        ],
    )
    def gather_k(table_hbm, idx_hbm, out_hbm, idx_v, rows_v, gsem, wsem):
        wid = lax.axis_index("s") * NC + lax.axis_index("c")
        base = wid * b_per_w
        pltpu.sync_copy(idx_hbm.at[pl.ds(base, b_per_w)], idx_v)

        def start_gather(c):
            return pltpu.async_copy(
                table_hbm.at[idx_v.at[pl.ds(c * _CHUNK, _CHUNK)]],
                rows_v.at[c % nbuf], gsem)

        gathers = [start_gather(c) for c in range(nbuf)]
        writes = []
        for c in range(n_chunks):
            gathers[c].wait()
            writes.append(pltpu.async_copy(
                rows_v.at[c % nbuf],
                out_hbm.at[pl.ds(base + c * _CHUNK, _CHUNK)], wsem))
            if c + nbuf < n_chunks:
                writes[c].wait()
                gathers.append(start_gather(c + nbuf))
        for c in range(max(n_chunks - nbuf, 0), n_chunks):
            writes[c].wait()

    return gather_k


def _dense_body(emb_ref, w_ref, g_ref, b_ref, out_ref, h_ref, stats_ref):
    p = pl.program_id(0)
    i = pl.program_id(1)

    @pl.when(p == 0)
    def _matmul_phase():
        hc = lax.dot_general(
            emb_ref[...], w_ref[...], (((1,), (1,)), ((), ())),
            preferred_element_type=jnp.float32,
        )
        hc = jnp.maximum(hc, 0.0)
        h_ref[pl.ds(i * _BC, _BC), :] = hc
        part = jnp.concatenate(
            [jnp.sum(hc, axis=0, keepdims=True),
             jnp.sum(hc * hc, axis=0, keepdims=True)], axis=0)

        @pl.when(i == 0)
        def _():
            stats_ref[...] = part

        @pl.when(i > 0)
        def _():
            stats_ref[...] = stats_ref[...] + part

    @pl.when(p == 1)
    def _normalize_phase():
        n_rows = h_ref.shape[0]
        stats = stats_ref[...]
        mean = stats[0:1, :] * (1.0 / n_rows)
        var = stats[1:2, :] * (1.0 / n_rows) - mean * mean
        scale = g_ref[...] * lax.rsqrt(var + _EPS)
        hc = h_ref[pl.ds(i * _BC, _BC), :]
        out_ref[...] = scale * (hc - mean) + b_ref[...]


def kernel(x, table, W, gamma, beta):
    B = x.shape[0]
    D = table.shape[1]
    DOUT = W.shape[0]
    emb = _build_gather(B, D)(table, x.astype(jnp.int32))
    last = B // _BC - 1
    out = pl.pallas_call(
        _dense_body,
        grid=(2, B // _BC),
        in_specs=[
            pl.BlockSpec((_BC, D),
                         lambda p, i: (jnp.where(p == 0, i, last), 0)),
            pl.BlockSpec((DOUT, D), lambda p, i: (0, 0)),
            pl.BlockSpec((1, DOUT), lambda p, i: (0, 0)),
            pl.BlockSpec((1, DOUT), lambda p, i: (0, 0)),
        ],
        out_specs=pl.BlockSpec((_BC, DOUT),
                               lambda p, i: (jnp.where(p == 0, 0, i), 0)),
        out_shape=jax.ShapeDtypeStruct((B, DOUT), jnp.float32),
        scratch_shapes=[
            pltpu.VMEM((B, DOUT), jnp.float32),
            pltpu.VMEM((2, DOUT), jnp.float32),
        ],
    )(emb, W, gamma.reshape(1, -1), beta.reshape(1, -1))
    return out

# --- scband reference (transcript-rebuilt; emitter-appended) ---
"""Pipeline reference for scband-category-7447473291438 (READ-ONLY COPY).

The authoritative reference and input builder live on the scoring server;
editing this copy changes nothing except your own understanding.
"""

import jax, jax.numpy as jnp
import numpy as np

VOCAB = 100000
D_EMB = 256
D_OUT = 128
B = 16384
EPS = 1e-5

def setup_inputs(seed: int = 0) -> dict:
    key = jax.random.key(seed)
    k1, k2, k3 = jax.random.split(key, 3)
    x = jax.random.randint(k1, (B,), 0, VOCAB)
    table = jax.random.normal(k2, (VOCAB, D_EMB), dtype=jnp.float32)
    W = jax.random.normal(k3, (D_OUT, D_EMB), dtype=jnp.float32) * 0.05
    gamma = jnp.ones((D_OUT,), dtype=jnp.float32)
    beta = jnp.zeros((D_OUT,), dtype=jnp.float32)
    return {"x": x, "table": table, "W": W, "gamma": gamma, "beta": beta}

def reference(x, table, W, gamma, beta):
    # nn.Embedding lookup
    emb = jnp.take(table, x, axis=0)            # [B, 256]
    # Linear(256 -> 128, bias=False): torch stores W as [out, in]
    h = emb @ W.T                                # [B, 128]
    # ReLU(inplace=True)
    h = jnp.maximum(h, 0.0)
    # BatchNorm1d(128) in training mode: batch statistics, biased variance
    mean = jnp.mean(h, axis=0)
    var = jnp.mean((h - mean) ** 2, axis=0)
    out = gamma * (h - mean) * jax.lax.rsqrt(var + EPS) + beta
    return out

if __name__ == "__main__":
    import jax
    _d = setup_inputs()
    print(jax.jit(kernel)(*tuple(_d.values())))

</pallas_src>

<mosaic_0001>
#map = affine_map<(d0, d1) -> (0, 0)>
#map1 = affine_map<(d0, d1) -> (0)>
module attributes {stable_mosaic.version = 14 : i64} {
  func.func @gather_k(%arg0: i32, %arg1: i32, %arg2: memref<100000x256xf32, #tpu.memory_space<hbm>>, %arg3: memref<16384xi32, #tpu.memory_space<hbm>>, %arg4: memref<16384x256xf32, #tpu.memory_space<hbm>>, %arg5: memref<512xi32, #tpu.memory_space<vmem>>, %arg6: memref<6x64x256xf32, #tpu.memory_space<vmem>>, %arg7: memref<!tpu.dma_semaphore, #tpu.memory_space<semaphore_mem>>, %arg8: memref<!tpu.dma_semaphore, #tpu.memory_space<semaphore_mem>>) attributes {dimension_semantics = [#tpu.dimension_semantics<core_parallel>, #tpu.dimension_semantics<subcore_parallel>], iteration_bounds = array<i64: 2, 16>, scalar_prefetch = 0 : i64, scratch_operands = 4 : i64, tpu.core_type = #tpu.core_type<sc_vector_subcore>, window_params = [{transform_indices = #map}, {transform_indices = #map1}, {transform_indices = #map}]} {
    %mul3A = arith.constant 2 : i32
    %mul3A_0 = arith.muli %arg1, %mul3A : i32
    %add3A = arith.addi %mul3A_0, %arg0 : i32
    %mul3A_1 = arith.constant 512 : i32
    %mul3A_2 = arith.muli %add3A, %mul3A_1 : i32
    "tpu.region"() ({
      %run_scoped3A = tpu.sem_alloc : memref<!tpu.dma_semaphore, #tpu.memory_space<semaphore_mem>>
      %dma_start3A_385 = tpu.memref_slice %arg3[%mul3A_2] : memref<16384xi32, #tpu.memory_space<hbm>> -> memref<512xi32, #tpu.memory_space<hbm>>
      %dma_start3A_386 = tpu.memref_slice %arg3[%mul3A_2] : memref<16384xi32, #tpu.memory_space<hbm>> -> memref<512xi32, #tpu.memory_space<hbm>>
      tpu.enqueue_dma source(%dma_start3A_386 : memref<512xi32, #tpu.memory_space<hbm>>) target(%arg5 : memref<512xi32, #tpu.memory_space<vmem>>) target_semaphore(%run_scoped3A : memref<!tpu.dma_semaphore, #tpu.memory_space<semaphore_mem>>)
      %dma_wait3A_387 = tpu.memref_slice %arg3[%mul3A_2] : memref<16384xi32, #tpu.memory_space<hbm>> -> memref<512xi32, #tpu.memory_space<hbm>>
      %dma_wait3A_388 = tpu.memref_slice %arg3[%mul3A_2] : memref<16384xi32, #tpu.memory_space<hbm>> -> memref<512xi32, #tpu.memory_space<hbm>>
      tpu.wait_dma2 semaphore(%run_scoped3A : memref<!tpu.dma_semaphore, #tpu.memory_space<semaphore_mem>>) src(%dma_wait3A_388 : memref<512xi32, #tpu.memory_space<hbm>>) dst(%arg5 : memref<512xi32, #tpu.memory_space<vmem>>)
      tpu.yield
    }) : () -> ()
    %dma_start3A = arith.constant 0 : i32
    %dma_start3A_3 = arith.constant 0 : i32
    %dma_start3A_4 = arith.constant 0 : i32
    %dma_start3A_5 = tpu.memref_slice %arg6[%dma_start3A, %dma_start3A_3, %dma_start3A_4] : memref<6x64x256xf32, #tpu.memory_space<vmem>> -> memref<1x64x256xf32, #tpu.memory_space<vmem>>
    %dma_start3A_6 = tpu.memref_squeeze %dma_start3A_5 : memref<1x64x256xf32, #tpu.memory_space<vmem>> -> memref<64x256xf32, #tpu.memory_space<vmem>>
    %dma_start3A_7 = arith.constant 0 : i32
    %dma_start3A_8 = tpu.memref_slice %arg5[%dma_start3A_7] : memref<512xi32, #tpu.memory_space<vmem>> -> memref<64xi32, #tpu.memory_space<vmem>>
    %dma_start3A_9 = arith.constant 0 : i32
    %dma_start3A_10 = arith.constant 0 : i32
    %dma_start3A_11 = tpu.memref_slice %arg2[%dma_start3A_9, %dma_start3A_10] : memref<100000x256xf32, #tpu.memory_space<hbm>> -> memref<100000x256xf32, #tpu.memory_space<hbm>>
    tpu.enqueue_indirect_dma source(%dma_start3A_11 : memref<100000x256xf32, #tpu.memory_space<hbm>>) target(%dma_start3A_6 : memref<64x256xf32, #tpu.memory_space<vmem>>) offsets(%dma_start3A_8 : memref<64xi32, #tpu.memory_space<vmem>>) semaphore(%arg7 : memref<!tpu.dma_semaphore, #tpu.memory_space<semaphore_mem>>)
    %dma_start3A_12 = arith.constant 1 : i32
    %dma_start3A_13 = arith.constant 0 : i32
    %dma_start3A_14 = arith.constant 0 : i32
    %dma_start3A_15 = tpu.memref_slice %arg6[%dma_start3A_12, %dma_start3A_13, %dma_start3A_14] : memref<6x64x256xf32, #tpu.memory_space<vmem>> -> memref<1x64x256xf32, #tpu.memory_space<vmem>>
    %dma_start3A_16 = tpu.memref_squeeze %dma_start3A_15 : memref<1x64x256xf32, #tpu.memory_space<vmem>> -> memref<64x256xf32, #tpu.memory_space<vmem>>
    %dma_start3A_17 = arith.constant 64 : i32
    %dma_start3A_18 = tpu.memref_slice %arg5[%dma_start3A_17] : memref<512xi32, #tpu.memory_space<vmem>> -> memref<64xi32, #tpu.memory_space<vmem>>
    %dma_start3A_19 = arith.constant 0 : i32
    %dma_start3A_20 = arith.constant 0 : i32
    %dma_start3A_21 = tpu.memref_slice %arg2[%dma_start3A_19, %dma_start3A_20] : memref<100000x256xf32, #tpu.memory_space<hbm>> -> memref<100000x256xf32, #tpu.memory_space<hbm>>
    tpu.enqueue_indirect_dma source(%dma_start3A_21 : memref<100000x256xf32, #tpu.memory_space<hbm>>) target(%dma_start3A_16 : memref<64x256xf32, #tpu.memory_space<vmem>>) offsets(%dma_start3A_18 : memref<64xi32, #tpu.memory_space<vmem>>) semaphore(%arg7 : memref<!tpu.dma_semaphore, #tpu.memory_space<semaphore_mem>>)
    %dma_start3A_22 = arith.constant 2 : i32
    %dma_start3A_23 = arith.constant 0 : i32
    %dma_start3A_24 = arith.constant 0 : i32
    %dma_start3A_25 = tpu.memref_slice %arg6[%dma_start3A_22, %dma_start3A_23, %dma_start3A_24] : memref<6x64x256xf32, #tpu.memory_space<vmem>> -> memref<1x64x256xf32, #tpu.memory_space<vmem>>
    %dma_start3A_26 = tpu.memref_squeeze %dma_start3A_25 : memref<1x64x256xf32, #tpu.memory_space<vmem>> -> memref<64x256xf32, #tpu.memory_space<vmem>>
    %dma_start3A_27 = arith.constant 128 : i32
    %dma_start3A_28 = tpu.memref_slice %arg5[%dma_start3A_27] : memref<512xi32, #tpu.memory_space<vmem>> -> memref<64xi32, #tpu.memory_space<vmem>>
    %dma_start3A_29 = arith.constant 0 : i32
    %dma_start3A_30 = arith.constant 0 : i32
    %dma_start3A_31 = tpu.memref_slice %arg2[%dma_start3A_29, %dma_start3A_30] : memref<100000x256xf32, #tpu.memory_space<hbm>> -> memref<100000x256xf32, #tpu.memory_space<hbm>>
    tpu.enqueue_indirect_dma source(%dma_start3A_31 : memref<100000x256xf32, #tpu.memory_space<hbm>>) target(%dma_start3A_26 : memref<64x256xf32, #tpu.memory_space<vmem>>) offsets(%dma_start3A_28 : memref<64xi32, #tpu.memory_space<vmem>>) semaphore(%arg7 : memref<!tpu.dma_semaphore, #tpu.memory_space<semaphore_mem>>)
    %dma_start3A_32 = arith.constant 3 : i32
    %dma_start3A_33 = arith.constant 0 : i32
    %dma_start3A_34 = arith.constant 0 : i32
    %dma_start3A_35 = tpu.memref_slice %arg6[%dma_start3A_32, %dma_start3A_33, %dma_start3A_34] : memref<6x64x256xf32, #tpu.memory_space<vmem>> -> memref<1x64x256xf32, #tpu.memory_space<vmem>>
    %dma_start3A_36 = tpu.memref_squeeze %dma_start3A_35 : memref<1x64x256xf32, #tpu.memory_space<vmem>> -> memref<64x256xf32, #tpu.memory_space<vmem>>
    %dma_start3A_37 = arith.constant 192 : i32
    %dma_start3A_38 = tpu.memref_slice %arg5[%dma_start3A_37] : memref<512xi32, #tpu.memory_space<vmem>> -> memref<64xi32, #tpu.memory_space<vmem>>
    %dma_start3A_39 = arith.constant 0 : i32
    %dma_start3A_40 = arith.constant 0 : i32
    %dma_start3A_41 = tpu.memref_slice %arg2[%dma_start3A_39, %dma_start3A_40] : memref<100000x256xf32, #tpu.memory_space<hbm>> -> memref<100000x256xf32, #tpu.memory_space<hbm>>
    tpu.enqueue_indirect_dma source(%dma_start3A_41 : memref<100000x256xf32, #tpu.memory_space<hbm>>) target(%dma_start3A_36 : memref<64x256xf32, #tpu.memory_space<vmem>>) offsets(%dma_start3A_38 : memref<64xi32, #tpu.memory_space<vmem>>) semaphore(%arg7 : memref<!tpu.dma_semaphore, #tpu.memory_space<semaphore_mem>>)
    %dma_start3A_42 = arith.constant 4 : i32
    %dma_start3A_43 = arith.constant 0 : i32
    %dma_start3A_44 = arith.constant 0 : i32
    %dma_start3A_45 = tpu.memref_slice %arg6[%dma_start3A_42, %dma_start3A_43, %dma_start3A_44] : memref<6x64x256xf32, #tpu.memory_space<vmem>> -> memref<1x64x256xf32, #tpu.memory_space<vmem>>
    %dma_start3A_46 = tpu.memref_squeeze %dma_start3A_45 : memref<1x64x256xf32, #tpu.memory_space<vmem>> -> memref<64x256xf32, #tpu.memory_space<vmem>>
    %dma_start3A_47 = arith.constant 256 : i32
    %dma_start3A_48 = tpu.memref_slice %arg5[%dma_start3A_47] : memref<512xi32, #tpu.memory_space<vmem>> -> memref<64xi32, #tpu.memory_space<vmem>>
    %dma_start3A_49 = arith.constant 0 : i32
    %dma_start3A_50 = arith.constant 0 : i32
    %dma_start3A_51 = tpu.memref_slice %arg2[%dma_start3A_49, %dma_start3A_50] : memref<100000x256xf32, #tpu.memory_space<hbm>> -> memref<100000x256xf32, #tpu.memory_space<hbm>>
    tpu.enqueue_indirect_dma source(%dma_start3A_51 : memref<100000x256xf32, #tpu.memory_space<hbm>>) target(%dma_start3A_46 : memref<64x256xf32, #tpu.memory_space<vmem>>) offsets(%dma_start3A_48 : memref<64xi32, #tpu.memory_space<vmem>>) semaphore(%arg7 : memref<!tpu.dma_semaphore, #tpu.memory_space<semaphore_mem>>)
    %dma_start3A_52 = arith.constant 5 : i32
    %dma_start3A_53 = arith.constant 0 : i32
    %dma_start3A_54 = arith.constant 0 : i32
    %dma_start3A_55 = tpu.memref_slice %arg6[%dma_start3A_52, %dma_start3A_53, %dma_start3A_54] : memref<6x64x256xf32, #tpu.memory_space<vmem>> -> memref<1x64x256xf32, #tpu.memory_space<vmem>>
    %dma_start3A_56 = tpu.memref_squeeze %dma_start3A_55 : memref<1x64x256xf32, #tpu.memory_space<vmem>> -> memref<64x256xf32, #tpu.memory_space<vmem>>
    %dma_start3A_57 = arith.constant 320 : i32
    %dma_start3A_58 = tpu.memref_slice %arg5[%dma_start3A_57] : memref<512xi32, #tpu.memory_space<vmem>> -> memref<64xi32, #tpu.memory_space<vmem>>
    %dma_start3A_59 = arith.constant 0 : i32
    %dma_start3A_60 = arith.constant 0 : i32
    %dma_start3A_61 = tpu.memref_slice %arg2[%dma_start3A_59, %dma_start3A_60] : memref<100000x256xf32, #tpu.memory_space<hbm>> -> memref<100000x256xf32, #tpu.memory_space<hbm>>
    tpu.enqueue_indirect_dma source(%dma_start3A_61 : memref<100000x256xf32, #tpu.memory_space<hbm>>) target(%dma_start3A_56 : memref<64x256xf32, #tpu.memory_space<vmem>>) offsets(%dma_start3A_58 : memref<64xi32, #tpu.memory_space<vmem>>) semaphore(%arg7 : memref<!tpu.dma_semaphore, #tpu.memory_space<semaphore_mem>>)
    %dma_wait3A = arith.constant 0 : i32
    %dma_wait3A_62 = arith.constant 0 : i32
    %dma_wait3A_63 = arith.constant 0 : i32
    %dma_wait3A_64 = tpu.memref_slice %arg6[%dma_wait3A, %dma_wait3A_62, %dma_wait3A_63] : memref<6x64x256xf32, #tpu.memory_space<vmem>> -> memref<1x64x256xf32, #tpu.memory_space<vmem>>
    %dma_wait3A_65 = tpu.memref_squeeze %dma_wait3A_64 : memref<1x64x256xf32, #tpu.memory_space<vmem>> -> memref<64x256xf32, #tpu.memory_space<vmem>>
    %dma_wait3A_66 = arith.constant 0 : i32
    %dma_wait3A_67 = tpu.memref_slice %arg5[%dma_wait3A_66] : memref<512xi32, #tpu.memory_space<vmem>> -> memref<64xi32, #tpu.memory_space<vmem>>
    %dma_wait3A_68 = arith.constant 0 : i32
    %dma_wait3A_69 = arith.constant 0 : i32
    %dma_wait3A_70 = tpu.memref_slice %arg2[%dma_wait3A_68, %dma_wait3A_69] : memref<100000x256xf32, #tpu.memory_space<hbm>> -> memref<100000x256xf32, #tpu.memory_space<hbm>>
    tpu.wait_indirect_dma semaphore(%arg7 : memref<!tpu.dma_semaphore, #tpu.memory_space<semaphore_mem>>) src(%dma_wait3A_70 : memref<100000x256xf32, #tpu.memory_space<hbm>>) dst(%dma_wait3A_65 : memref<64x256xf32, #tpu.memory_space<vmem>>)
    %add3A_71 = arith.constant 0 : i32
    %add3A_72 = arith.addi %mul3A_2, %add3A_71 : i32
    %dma_start3A_73 = arith.constant 0 : i32
    %dma_start3A_74 = arith.constant 0 : i32
    %dma_start3A_75 = arith.constant 0 : i32
    %dma_start3A_76 = tpu.memref_slice %arg6[%dma_start3A_73, %dma_start3A_74, %dma_start3A_75] : memref<6x64x256xf32, #tpu.memory_space<vmem>> -> memref<1x64x256xf32, #tpu.memory_space<vmem>>
    %dma_start3A_77 = tpu.memref_squeeze %dma_start3A_76 : memref<1x64x256xf32, #tpu.memory_space<vmem>> -> memref<64x256xf32, #tpu.memory_space<vmem>>
    %dma_start3A_78 = arith.constant 0 : i32
    %dma_start3A_79 = tpu.memref_slice %arg4[%add3A_72, %dma_start3A_78] : memref<16384x256xf32, #tpu.memory_space<hbm>> -> memref<64x256xf32, #tpu.memory_space<hbm>>
    %dma_start3A_80 = arith.constant 0 : i32
    %dma_start3A_81 = tpu.memref_slice %arg4[%add3A_72, %dma_start3A_80] : memref<16384x256xf32, #tpu.memory_space<hbm>> -> memref<64x256xf32, #tpu.memory_space<hbm>>
    %dma_start3A_82 = arith.constant 0 : i32
    %dma_start3A_83 = arith.constant 0 : i32
    %dma_start3A_84 = tpu.memref_slice %arg6[%dma_start3A_73, %dma_start3A_82, %dma_start3A_83] : memref<6x64x256xf32, #tpu.memory_space<vmem>> -> memref<1x64x256xf32, #tpu.memory_space<vmem>>
    %dma_start3A_85 = tpu.memref_squeeze %dma_start3A_84 : memref<1x64x256xf32, #tpu.memory_space<vmem>> -> memref<64x256xf32, #tpu.memory_space<vmem>>
    tpu.enqueue_dma source(%dma_start3A_85 : memref<64x256xf32, #tpu.memory_space<vmem>>) target(%dma_start3A_81 : memref<64x256xf32, #tpu.memory_space<hbm>>) target_semaphore(%arg8 : memref<!tpu.dma_semaphore, #tpu.memory_space<semaphore_mem>>)
    %dma_wait3A_86 = arith.constant 0 : i32
    %dma_wait3A_87 = arith.constant 0 : i32
    %dma_wait3A_88 = arith.constant 0 : i32
    %dma_wait3A_89 = tpu.memref_slice %arg6[%dma_wait3A_86, %dma_wait3A_87, %dma_wait3A_88] : memref<6x64x256xf32, #tpu.memory_space<vmem>> -> memref<1x64x256xf32, #tpu.memory_space<vmem>>
    %dma_wait3A_90 = tpu.memref_squeeze %dma_wait3A_89 : memref<1x64x256xf32, #tpu.memory_space<vmem>> -> memref<64x256xf32, #tpu.memory_space<vmem>>
    %dma_wait3A_91 = arith.constant 0 : i32
    %dma_wait3A_92 = tpu.memref_slice %arg4[%add3A_72, %dma_wait3A_91] : memref<16384x256xf32, #tpu.memory_space<hbm>> -> memref<64x256xf32, #tpu.memory_space<hbm>>
    %dma_wait3A_93 = arith.constant 0 : i32
    %dma_wait3A_94 = tpu.memref_slice %arg4[%add3A_72, %dma_wait3A_93] : memref<16384x256xf32, #tpu.memory_space<hbm>> -> memref<64x256xf32, #tpu.memory_space<hbm>>
    %dma_wait3A_95 = arith.constant 0 : i32
    %dma_wait3A_96 = arith.constant 0 : i32
    %dma_wait3A_97 = tpu.memref_slice %arg6[%dma_wait3A_86, %dma_wait3A_95, %dma_wait3A_96] : memref<6x64x256xf32, #tpu.memory_space<vmem>> -> memref<1x64x256xf32, #tpu.memory_space<vmem>>
    %dma_wait3A_98 = tpu.memref_squeeze %dma_wait3A_97 : memref<1x64x256xf32, #tpu.memory_space<vmem>> -> memref<64x256xf32, #tpu.memory_space<vmem>>
    tpu.wait_dma2 semaphore(%arg8 : memref<!tpu.dma_semaphore, #tpu.memory_space<semaphore_mem>>) src(%dma_wait3A_98 : memref<64x256xf32, #tpu.memory_space<vmem>>) dst(%dma_wait3A_94 : memref<64x256xf32, #tpu.memory_space<hbm>>)
    %dma_start3A_99 = arith.constant 0 : i32
    %dma_start3A_100 = arith.constant 0 : i32
    %dma_start3A_101 = arith.constant 0 : i32
    %dma_start3A_102 = tpu.memref_slice %arg6[%dma_start3A_99, %dma_start3A_100, %dma_start3A_101] : memref<6x64x256xf32, #tpu.memory_space<vmem>> -> memref<1x64x256xf32, #tpu.memory_space<vmem>>
    %dma_start3A_103 = tpu.memref_squeeze %dma_start3A_102 : memref<1x64x256xf32, #tpu.memory_space<vmem>> -> memref<64x256xf32, #tpu.memory_space<vmem>>
    %dma_start3A_104 = arith.constant 384 : i32
    %dma_start3A_105 = tpu.memref_slice %arg5[%dma_start3A_104] : memref<512xi32, #tpu.memory_space<vmem>> -> memref<64xi32, #tpu.memory_space<vmem>>
    %dma_start3A_106 = arith.constant 0 : i32
    %dma_start3A_107 = arith.constant 0 : i32
    %dma_start3A_108 = tpu.memref_slice %arg2[%dma_start3A_106, %dma_start3A_107] : memref<100000x256xf32, #tpu.memory_space<hbm>> -> memref<100000x256xf32, #tpu.memory_space<hbm>>
    tpu.enqueue_indirect_dma source(%dma_start3A_108 : memref<100000x256xf32, #tpu.memory_space<hbm>>) target(%dma_start3A_103 : memref<64x256xf32, #tpu.memory_space<vmem>>) offsets(%dma_start3A_105 : memref<64xi32, #tpu.memory_space<vmem>>) semaphore(%arg7 : memref<!tpu.dma_semaphore, #tpu.memory_space<semaphore_mem>>)
    %dma_wait3A_109 = arith.constant 1 : i32
    %dma_wait3A_110 = arith.constant 0 : i32
    %dma_wait3A_111 = arith.constant 0 : i32
    %dma_wait3A_112 = tpu.memref_slice %arg6[%dma_wait3A_109, %dma_wait3A_110, %dma_wait3A_111] : memref<6x64x256xf32, #tpu.memory_space<vmem>> -> memref<1x64x256xf32, #tpu.memory_space<vmem>>
    %dma_wait3A_113 = tpu.memref_squeeze %dma_wait3A_112 : memref<1x64x256xf32, #tpu.memory_space<vmem>> -> memref<64x256xf32, #tpu.memory_space<vmem>>
    %dma_wait3A_114 = arith.constant 64 : i32
    %dma_wait3A_115 = tpu.memref_slice %arg5[%dma_wait3A_114] : memref<512xi32, #tpu.memory_space<vmem>> -> memref<64xi32, #tpu.memory_space<vmem>>
    %dma_wait3A_116 = arith.constant 0 : i32
    %dma_wait3A_117 = arith.constant 0 : i32
    %dma_wait3A_118 = tpu.memref_slice %arg2[%dma_wait3A_116, %dma_wait3A_117] : memref<100000x256xf32, #tpu.memory_space<hbm>> -> memref<100000x256xf32, #tpu.memory_space<hbm>>
    tpu.wait_indirect_dma semaphore(%arg7 : memref<!tpu.dma_semaphore, #tpu.memory_space<semaphore_mem>>) src(%dma_wait3A_118 : memref<100000x256xf32, #tpu.memory_space<hbm>>) dst(%dma_wait3A_113 : memref<64x256xf32, #tpu.memory_space<vmem>>)
    %add3A_119 = arith.constant 64 : i32
    %add3A_120 = arith.addi %mul3A_2, %add3A_119 : i32
    %dma_start3A_121 = arith.constant 1 : i32
    %dma_start3A_122 = arith.constant 0 : i32
    %dma_start3A_123 = arith.constant 0 : i32
    %dma_start3A_124 = tpu.memref_slice %arg6[%dma_start3A_121, %dma_start3A_122, %dma_start3A_123] : memref<6x64x256xf32, #tpu.memory_space<vmem>> -> memref<1x64x256xf32, #tpu.memory_space<vmem>>
    %dma_start3A_125 = tpu.memref_squeeze %dma_start3A_124 : memref<1x64x256xf32, #tpu.memory_space<vmem>> -> memref<64x256xf32, #tpu.memory_space<vmem>>
    %dma_start3A_126 = arith.constant 0 : i32
    %dma_start3A_127 = tpu.memref_slice %arg4[%add3A_120, %dma_start3A_126] : memref<16384x256xf32, #tpu.memory_space<hbm>> -> memref<64x256xf32, #tpu.memory_space<hbm>>
    %dma_start3A_128 = arith.constant 0 : i32
    %dma_start3A_129 = tpu.memref_slice %arg4[%add3A_120, %dma_start3A_128] : memref<16384x256xf32, #tpu.memory_space<hbm>> -> memref<64x256xf32, #tpu.memory_space<hbm>>
    %dma_start3A_130 = arith.constant 0 : i32
    %dma_start3A_131 = arith.constant 0 : i32
    %dma_start3A_132 = tpu.memref_slice %arg6[%dma_start3A_121, %dma_start3A_130, %dma_start3A_131] : memref<6x64x256xf32, #tpu.memory_space<vmem>> -> memref<1x64x256xf32, #tpu.memory_space<vmem>>
    %dma_start3A_133 = tpu.memref_squeeze %dma_start3A_132 : memref<1x64x256xf32, #tpu.memory_space<vmem>> -> memref<64x256xf32, #tpu.memory_space<vmem>>
    tpu.enqueue_dma source(%dma_start3A_133 : memref<64x256xf32, #tpu.memory_space<vmem>>) target(%dma_start3A_129 : memref<64x256xf32, #tpu.memory_space<hbm>>) target_semaphore(%arg8 : memref<!tpu.dma_semaphore, #tpu.memory_space<semaphore_mem>>)
    %dma_wait3A_134 = arith.constant 1 : i32
    %dma_wait3A_135 = arith.constant 0 : i32
    %dma_wait3A_136 = arith.constant 0 : i32
    %dma_wait3A_137 = tpu.memref_slice %arg6[%dma_wait3A_134, %dma_wait3A_135, %dma_wait3A_136] : memref<6x64x256xf32, #tpu.memory_space<vmem>> -> memref<1x64x256xf32, #tpu.memory_space<vmem>>
    %dma_wait3A_138 = tpu.memref_squeeze %dma_wait3A_137 : memref<1x64x256xf32, #tpu.memory_space<vmem>> -> memref<64x256xf32, #tpu.memory_space<vmem>>
    %dma_wait3A_139 = arith.constant 0 : i32
    %dma_wait3A_140 = tpu.memref_slice %arg4[%add3A_120, %dma_wait3A_139] : memref<16384x256xf32, #tpu.memory_space<hbm>> -> memref<64x256xf32, #tpu.memory_space<hbm>>
    %dma_wait3A_141 = arith.constant 0 : i32
    %dma_wait3A_142 = tpu.memref_slice %arg4[%add3A_120, %dma_wait3A_141] : memref<16384x256xf32, #tpu.memory_space<hbm>> -> memref<64x256xf32, #tpu.memory_space<hbm>>
    %dma_wait3A_143 = arith.constant 0 : i32
    %dma_wait3A_144 = arith.constant 0 : i32
    %dma_wait3A_145 = tpu.memref_slice %arg6[%dma_wait3A_134, %dma_wait3A_143, %dma_wait3A_144] : memref<6x64x256xf32, #tpu.memory_space<vmem>> -> memref<1x64x256xf32, #tpu.memory_space<vmem>>
    %dma_wait3A_146 = tpu.memref_squeeze %dma_wait3A_145 : memref<1x64x256xf32, #tpu.memory_space<vmem>> -> memref<64x256xf32, #tpu.memory_space<vmem>>
    tpu.wait_dma2 semaphore(%arg8 : memref<!tpu.dma_semaphore, #tpu.memory_space<semaphore_mem>>) src(%dma_wait3A_146 : memref<64x256xf32, #tpu.memory_space<vmem>>) dst(%dma_wait3A_142 : memref<64x256xf32, #tpu.memory_space<hbm>>)
    %dma_start3A_147 = arith.constant 1 : i32
    %dma_start3A_148 = arith.constant 0 : i32
    %dma_start3A_149 = arith.constant 0 : i32
    %dma_start3A_150 = tpu.memref_slice %arg6[%dma_start3A_147, %dma_start3A_148, %dma_start3A_149] : memref<6x64x256xf32, #tpu.memory_space<vmem>> -> memref<1x64x256xf32, #tpu.memory_space<vmem>>
    %dma_start3A_151 = tpu.memref_squeeze %dma_start3A_150 : memref<1x64x256xf32, #tpu.memory_space<vmem>> -> memref<64x256xf32, #tpu.memory_space<vmem>>
    %dma_start3A_152 = arith.constant 448 : i32
    %dma_start3A_153 = tpu.memref_slice %arg5[%dma_start3A_152] : memref<512xi32, #tpu.memory_space<vmem>> -> memref<64xi32, #tpu.memory_space<vmem>>
    %dma_start3A_154 = arith.constant 0 : i32
    %dma_start3A_155 = arith.constant 0 : i32
    %dma_start3A_156 = tpu.memref_slice %arg2[%dma_start3A_154, %dma_start3A_155] : memref<100000x256xf32, #tpu.memory_space<hbm>> -> memref<100000x256xf32, #tpu.memory_space<hbm>>
    tpu.enqueue_indirect_dma source(%dma_start3A_156 : memref<100000x256xf32, #tpu.memory_space<hbm>>) target(%dma_start3A_151 : memref<64x256xf32, #tpu.memory_space<vmem>>) offsets(%dma_start3A_153 : memref<64xi32, #tpu.memory_space<vmem>>) semaphore(%arg7 : memref<!tpu.dma_semaphore, #tpu.memory_space<semaphore_mem>>)
    %dma_wait3A_157 = arith.constant 2 : i32
    %dma_wait3A_158 = arith.constant 0 : i32
    %dma_wait3A_159 = arith.constant 0 : i32
    %dma_wait3A_160 = tpu.memref_slice %arg6[%dma_wait3A_157, %dma_wait3A_158, %dma_wait3A_159] : memref<6x64x256xf32, #tpu.memory_space<vmem>> -> memref<1x64x256xf32, #tpu.memory_space<vmem>>
    %dma_wait3A_161 = tpu.memref_squeeze %dma_wait3A_160 : memref<1x64x256xf32, #tpu.memory_space<vmem>> -> memref<64x256xf32, #tpu.memory_space<vmem>>
    %dma_wait3A_162 = arith.constant 128 : i32
    %dma_wait3A_163 = tpu.memref_slice %arg5[%dma_wait3A_162] : memref<512xi32, #tpu.memory_space<vmem>> -> memref<64xi32, #tpu.memory_space<vmem>>
    %dma_wait3A_164 = arith.constant 0 : i32
    %dma_wait3A_165 = arith.constant 0 : i32
    %dma_wait3A_166 = tpu.memref_slice %arg2[%dma_wait3A_164, %dma_wait3A_165] : memref<100000x256xf32, #tpu.memory_space<hbm>> -> memref<100000x256xf32, #tpu.memory_space<hbm>>
    tpu.wait_indirect_dma semaphore(%arg7 : memref<!tpu.dma_semaphore, #tpu.memory_space<semaphore_mem>>) src(%dma_wait3A_166 : memref<100000x256xf32, #tpu.memory_space<hbm>>) dst(%dma_wait3A_161 : memref<64x256xf32, #tpu.memory_space<vmem>>)
    %add3A_167 = arith.constant 128 : i32
    %add3A_168 = arith.addi %mul3A_2, %add3A_167 : i32
    %dma_start3A_169 = arith.constant 2 : i32
    %dma_start3A_170 = arith.constant 0 : i32
    %dma_start3A_171 = arith.constant 0 : i32
    %dma_start3A_172 = tpu.memref_slice %arg6[%dma_start3A_169, %dma_start3A_170, %dma_start3A_171] : memref<6x64x256xf32, #tpu.memory_space<vmem>> -> memref<1x64x256xf32, #tpu.memory_space<vmem>>
    %dma_start3A_173 = tpu.memref_squeeze %dma_start3A_172 : memref<1x64x256xf32, #tpu.memory_space<vmem>> -> memref<64x256xf32, #tpu.memory_space<vmem>>
    %dma_start3A_174 = arith.constant 0 : i32
    %dma_start3A_175 = tpu.memref_slice %arg4[%add3A_168, %dma_start3A_174] : memref<16384x256xf32, #tpu.memory_space<hbm>> -> memref<64x256xf32, #tpu.memory_space<hbm>>
    %dma_start3A_176 = arith.constant 0 : i32
    %dma_start3A_177 = tpu.memref_slice %arg4[%add3A_168, %dma_start3A_176] : memref<16384x256xf32, #tpu.memory_space<hbm>> -> memref<64x256xf32, #tpu.memory_space<hbm>>
    %dma_start3A_178 = arith.constant 0 : i32
    %dma_start3A_179 = arith.constant 0 : i32
    %dma_start3A_180 = tpu.memref_slice %arg6[%dma_start3A_169, %dma_start3A_178, %dma_start3A_179] : memref<6x64x256xf32, #tpu.memory_space<vmem>> -> memref<1x64x256xf32, #tpu.memory_space<vmem>>
    %dma_start3A_181 = tpu.memref_squeeze %dma_start3A_180 : memref<1x64x256xf32, #tpu.memory_space<vmem>> -> memref<64x256xf32, #tpu.memory_space<vmem>>
    tpu.enqueue_dma source(%dma_start3A_181 : memref<64x256xf32, #tpu.memory_space<vmem>>) target(%dma_start3A_177 : memref<64x256xf32, #tpu.memory_space<hbm>>) target_semaphore(%arg8 : memref<!tpu.dma_semaphore, #tpu.memory_space<semaphore_mem>>)
    %dma_wait3A_182 = arith.constant 3 : i32
    %dma_wait3A_183 = arith.constant 0 : i32
    %dma_wait3A_184 = arith.constant 0 : i32
    %dma_wait3A_185 = tpu.memref_slice %arg6[%dma_wait3A_182, %dma_wait3A_183, %dma_wait3A_184] : memref<6x64x256xf32, #tpu.memory_space<vmem>> -> memref<1x64x256xf32, #tpu.memory_space<vmem>>
    %dma_wait3A_186 = tpu.memref_squeeze %dma_wait3A_185 : memref<1x64x256xf32, #tpu.memory_space<vmem>> -> memref<64x256xf32, #tpu.memory_space<vmem>>
    %dma_wait3A_187 = arith.constant 192 : i32
    %dma_wait3A_188 = tpu.memref_slice %arg5[%dma_wait3A_187] : memref<512xi32, #tpu.memory_space<vmem>> -> memref<64xi32, #tpu.memory_space<vmem>>
    %dma_wait3A_189 = arith.constant 0 : i32
    %dma_wait3A_190 = arith.constant 0 : i32
    %dma_wait3A_191 = tpu.memref_slice %arg2[%dma_wait3A_189, %dma_wait3A_190] : memref<100000x256xf32, #tpu.memory_space<hbm>> -> memref<100000x256xf32, #tpu.memory_space<hbm>>
    tpu.wait_indirect_dma semaphore(%arg7 : memref<!tpu.dma_semaphore, #tpu.memory_space<semaphore_mem>>) src(%dma_wait3A_191 : memref<100000x256xf32, #tpu.memory_space<hbm>>) dst(%dma_wait3A_186 : memref<64x256xf32, #tpu.memory_space<vmem>>)
    %add3A_192 = arith.constant 192 : i32
    %add3A_193 = arith.addi %mul3A_2, %add3A_192 : i32
    %dma_start3A_194 = arith.constant 3 : i32
    %dma_start3A_195 = arith.constant 0 : i32
    %dma_start3A_196 = arith.constant 0 : i32
    %dma_start3A_197 = tpu.memref_slice %arg6[%dma_start3A_194, %dma_start3A_195, %dma_start3A_196] : memref<6x64x256xf32, #tpu.memory_space<vmem>> -> memref<1x64x256xf32, #tpu.memory_space<vmem>>
    %dma_start3A_198 = tpu.memref_squeeze %dma_start3A_197 : memref<1x64x256xf32, #tpu.memory_space<vmem>> -> memref<64x256xf32, #tpu.memory_space<vmem>>
    %dma_start3A_199 = arith.constant 0 : i32
    %dma_start3A_200 = tpu.memref_slice %arg4[%add3A_193, %dma_start3A_199] : memref<16384x256xf32, #tpu.memory_space<hbm>> -> memref<64x256xf32, #tpu.memory_space<hbm>>
    %dma_start3A_201 = arith.constant 0 : i32
    %dma_start3A_202 = tpu.memref_slice %arg4[%add3A_193, %dma_start3A_201] : memref<16384x256xf32, #tpu.memory_space<hbm>> -> memref<64x256xf32, #tpu.memory_space<hbm>>
    %dma_start3A_203 = arith.constant 0 : i32
    %dma_start3A_204 = arith.constant 0 : i32
    %dma_start3A_205 = tpu.memref_slice %arg6[%dma_start3A_194, %dma_start3A_203, %dma_start3A_204] : memref<6x64x256xf32, #tpu.memory_space<vmem>> -> memref<1x64x256xf32, #tpu.memory_space<vmem>>
    %dma_start3A_206 = tpu.memref_squeeze %dma_start3A_205 : memref<1x64x256xf32, #tpu.memory_space<vmem>> -> memref<64x256xf32, #tpu.memory_space<vmem>>
    tpu.enqueue_dma source(%dma_start3A_206 : memref<64x256xf32, #tpu.memory_space<vmem>>) target(%dma_start3A_202 : memref<64x256xf32, #tpu.memory_space<hbm>>) target_semaphore(%arg8 : memref<!tpu.dma_semaphore, #tpu.memory_space<semaphore_mem>>)
    %dma_wait3A_207 = arith.constant 4 : i32
    %dma_wait3A_208 = arith.constant 0 : i32
    %dma_wait3A_209 = arith.constant 0 : i32
    %dma_wait3A_210 = tpu.memref_slice %arg6[%dma_wait3A_207, %dma_wait3A_208, %dma_wait3A_209] : memref<6x64x256xf32, #tpu.memory_space<vmem>> -> memref<1x64x256xf32, #tpu.memory_space<vmem>>
    %dma_wait3A_211 = tpu.memref_squeeze %dma_wait3A_210 : memref<1x64x256xf32, #tpu.memory_space<vmem>> -> memref<64x256xf32, #tpu.memory_space<vmem>>
    %dma_wait3A_212 = arith.constant 256 : i32
    %dma_wait3A_213 = tpu.memref_slice %arg5[%dma_wait3A_212] : memref<512xi32, #tpu.memory_space<vmem>> -> memref<64xi32, #tpu.memory_space<vmem>>
    %dma_wait3A_214 = arith.constant 0 : i32
    %dma_wait3A_215 = arith.constant 0 : i32
    %dma_wait3A_216 = tpu.memref_slice %arg2[%dma_wait3A_214, %dma_wait3A_215] : memref<100000x256xf32, #tpu.memory_space<hbm>> -> memref<100000x256xf32, #tpu.memory_space<hbm>>
    tpu.wait_indirect_dma semaphore(%arg7 : memref<!tpu.dma_semaphore, #tpu.memory_space<semaphore_mem>>) src(%dma_wait3A_216 : memref<100000x256xf32, #tpu.memory_space<hbm>>) dst(%dma_wait3A_211 : memref<64x256xf32, #tpu.memory_space<vmem>>)
    %add3A_217 = arith.constant 256 : i32
    %add3A_218 = arith.addi %mul3A_2, %add3A_217 : i32
    %dma_start3A_219 = arith.constant 4 : i32
    %dma_start3A_220 = arith.constant 0 : i32
    %dma_start3A_221 = arith.constant 0 : i32
    %dma_start3A_222 = tpu.memref_slice %arg6[%dma_start3A_219, %dma_start3A_220, %dma_start3A_221] : memref<6x64x256xf32, #tpu.memory_space<vmem>> -> memref<1x64x256xf32, #tpu.memory_space<vmem>>
    %dma_start3A_223 = tpu.memref_squeeze %dma_start3A_222 : memref<1x64x256xf32, #tpu.memory_space<vmem>> -> memref<64x256xf32, #tpu.memory_space<vmem>>
    %dma_start3A_224 = arith.constant 0 : i32
    %dma_start3A_225 = tpu.memref_slice %arg4[%add3A_218, %dma_start3A_224] : memref<16384x256xf32, #tpu.memory_space<hbm>> -> memref<64x256xf32, #tpu.memory_space<hbm>>
    %dma_start3A_226 = arith.constant 0 : i32
    %dma_start3A_227 = tpu.memref_slice %arg4[%add3A_218, %dma_start3A_226] : memref<16384x256xf32, #tpu.memory_space<hbm>> -> memref<64x256xf32, #tpu.memory_space<hbm>>
    %dma_start3A_228 = arith.constant 0 : i32
    %dma_start3A_229 = arith.constant 0 : i32
    %dma_start3A_230 = tpu.memref_slice %arg6[%dma_start3A_219, %dma_start3A_228, %dma_start3A_229] : memref<6x64x256xf32, #tpu.memory_space<vmem>> -> memref<1x64x256xf32, #tpu.memory_space<vmem>>
    %dma_start3A_231 = tpu.memref_squeeze %dma_start3A_230 : memref<1x64x256xf32, #tpu.memory_space<vmem>> -> memref<64x256xf32, #tpu.memory_space<vmem>>
    tpu.enqueue_dma source(%dma_start3A_231 : memref<64x256xf32, #tpu.memory_space<vmem>>) target(%dma_start3A_227 : memref<64x256xf32, #tpu.memory_space<hbm>>) target_semaphore(%arg8 : memref<!tpu.dma_semaphore, #tpu.memory_space<semaphore_mem>>)
    %dma_wait3A_232 = arith.constant 5 : i32
    %dma_wait3A_233 = arith.constant 0 : i32
    %dma_wait3A_234 = arith.constant 0 : i32
    %dma_wait3A_235 = tpu.memref_slice %arg6[%dma_wait3A_232, %dma_wait3A_233, %dma_wait3A_234] : memref<6x64x256xf32, #tpu.memory_space<vmem>> -> memref<1x64x256xf32, #tpu.memory_space<vmem>>
    %dma_wait3A_236 = tpu.memref_squeeze %dma_wait3A_235 : memref<1x64x256xf32, #tpu.memory_space<vmem>> -> memref<64x256xf32, #tpu.memory_space<vmem>>
    %dma_wait3A_237 = arith.constant 320 : i32
    %dma_wait3A_238 = tpu.memref_slice %arg5[%dma_wait3A_237] : memref<512xi32, #tpu.memory_space<vmem>> -> memref<64xi32, #tpu.memory_space<vmem>>
    %dma_wait3A_239 = arith.constant 0 : i32
    %dma_wait3A_240 = arith.constant 0 : i32
    %dma_wait3A_241 = tpu.memref_slice %arg2[%dma_wait3A_239, %dma_wait3A_240] : memref<100000x256xf32, #tpu.memory_space<hbm>> -> memref<100000x256xf32, #tpu.memory_space<hbm>>
    tpu.wait_indirect_dma semaphore(%arg7 : memref<!tpu.dma_semaphore, #tpu.memory_space<semaphore_mem>>) src(%dma_wait3A_241 : memref<100000x256xf32, #tpu.memory_space<hbm>>) dst(%dma_wait3A_236 : memref<64x256xf32, #tpu.memory_space<vmem>>)
    %add3A_242 = arith.constant 320 : i32
    %add3A_243 = arith.addi %mul3A_2, %add3A_242 : i32
    %dma_start3A_244 = arith.constant 5 : i32
    %dma_start3A_245 = arith.constant 0 : i32
    %dma_start3A_246 = arith.constant 0 : i32
    %dma_start3A_247 = tpu.memref_slice %arg6[%dma_start3A_244, %dma_start3A_245, %dma_start3A_246] : memref<6x64x256xf32, #tpu.memory_space<vmem>> -> memref<1x64x256xf32, #tpu.memory_space<vmem>>
    %dma_start3A_248 = tpu.memref_squeeze %dma_start3A_247 : memref<1x64x256xf32, #tpu.memory_space<vmem>> -> memref<64x256xf32, #tpu.memory_space<vmem>>
    %dma_start3A_249 = arith.constant 0 : i32
    %dma_start3A_250 = tpu.memref_slice %arg4[%add3A_243, %dma_start3A_249] : memref<16384x256xf32, #tpu.memory_space<hbm>> -> memref<64x256xf32, #tpu.memory_space<hbm>>
    %dma_start3A_251 = arith.constant 0 : i32
    %dma_start3A_252 = tpu.memref_slice %arg4[%add3A_243, %dma_start3A_251] : memref<16384x256xf32, #tpu.memory_space<hbm>> -> memref<64x256xf32, #tpu.memory_space<hbm>>
    %dma_start3A_253 = arith.constant 0 : i32
    %dma_start3A_254 = arith.constant 0 : i32
    %dma_start3A_255 = tpu.memref_slice %arg6[%dma_start3A_244, %dma_start3A_253, %dma_start3A_254] : memref<6x64x256xf32, #tpu.memory_space<vmem>> -> memref<1x64x256xf32, #tpu.memory_space<vmem>>
    %dma_start3A_256 = tpu.memref_squeeze %dma_start3A_255 : memref<1x64x256xf32, #tpu.memory_space<vmem>> -> memref<64x256xf32, #tpu.memory_space<vmem>>
    tpu.enqueue_dma source(%dma_start3A_256 : memref<64x256xf32, #tpu.memory_space<vmem>>) target(%dma_start3A_252 : memref<64x256xf32, #tpu.memory_space<hbm>>) target_semaphore(%arg8 : memref<!tpu.dma_semaphore, #tpu.memory_space<semaphore_mem>>)
    %dma_wait3A_257 = arith.constant 0 : i32
    %dma_wait3A_258 = arith.constant 0 : i32
    %dma_wait3A_259 = arith.constant 0 : i32
    %dma_wait3A_260 = tpu.memref_slice %arg6[%dma_wait3A_257, %dma_wait3A_258, %dma_wait3A_259] : memref<6x64x256xf32, #tpu.memory_space<vmem>> -> memref<1x64x256xf32, #tpu.memory_space<vmem>>
    %dma_wait3A_261 = tpu.memref_squeeze %dma_wait3A_260 : memref<1x64x256xf32, #tpu.memory_space<vmem>> -> memref<64x256xf32, #tpu.memory_space<vmem>>
    %dma_wait3A_262 = arith.constant 384 : i32
    %dma_wait3A_263 = tpu.memref_slice %arg5[%dma_wait3A_262] : memref<512xi32, #tpu.memory_space<vmem>> -> memref<64xi32, #tpu.memory_space<vmem>>
    %dma_wait3A_264 = arith.constant 0 : i32
    %dma_wait3A_265 = arith.constant 0 : i32
    %dma_wait3A_266 = tpu.memref_slice %arg2[%dma_wait3A_264, %dma_wait3A_265] : memref<100000x256xf32, #tpu.memory_space<hbm>> -> memref<100000x256xf32, #tpu.memory_space<hbm>>
    tpu.wait_indirect_dma semaphore(%arg7 : memref<!tpu.dma_semaphore, #tpu.memory_space<semaphore_mem>>) src(%dma_wait3A_266 : memref<100000x256xf32, #tpu.memory_space<hbm>>) dst(%dma_wait3A_261 : memref<64x256xf32, #tpu.memory_space<vmem>>)
    %add3A_267 = arith.constant 384 : i32
    %add3A_268 = arith.addi %mul3A_2, %add3A_267 : i32
    %dma_start3A_269 = arith.constant 0 : i32
    %dma_start3A_270 = arith.constant 0 : i32
    %dma_start3A_271 = arith.constant 0 : i32
    %dma_start3A_272 = tpu.memref_slice %arg6[%dma_start3A_269, %dma_start3A_270, %dma_start3A_271] : memref<6x64x256xf32, #tpu.memory_space<vmem>> -> memref<1x64x256xf32, #tpu.memory_space<vmem>>
    %dma_start3A_273 = tpu.memref_squeeze %dma_start3A_272 : memref<1x64x256xf32, #tpu.memory_space<vmem>> -> memref<64x256xf32, #tpu.memory_space<vmem>>
    %dma_start3A_274 = arith.constant 0 : i32
    %dma_start3A_275 = tpu.memref_slice %arg4[%add3A_268, %dma_start3A_274] : memref<16384x256xf32, #tpu.memory_space<hbm>> -> memref<64x256xf32, #tpu.memory_space<hbm>>
    %dma_start3A_276 = arith.constant 0 : i32
    %dma_start3A_277 = tpu.memref_slice %arg4[%add3A_268, %dma_start3A_276] : memref<16384x256xf32, #tpu.memory_space<hbm>> -> memref<64x256xf32, #tpu.memory_space<hbm>>
    %dma_start3A_278 = arith.constant 0 : i32
    %dma_start3A_279 = arith.constant 0 : i32
    %dma_start3A_280 = tpu.memref_slice %arg6[%dma_start3A_269, %dma_start3A_278, %dma_start3A_279] : memref<6x64x256xf32, #tpu.memory_space<vmem>> -> memref<1x64x256xf32, #tpu.memory_space<vmem>>
    %dma_start3A_281 = tpu.memref_squeeze %dma_start3A_280 : memref<1x64x256xf32, #tpu.memory_space<vmem>> -> memref<64x256xf32, #tpu.memory_space<vmem>>
    tpu.enqueue_dma source(%dma_start3A_281 : memref<64x256xf32, #tpu.memory_space<vmem>>) target(%dma_start3A_277 : memref<64x256xf32, #tpu.memory_space<hbm>>) target_semaphore(%arg8 : memref<!tpu.dma_semaphore, #tpu.memory_space<semaphore_mem>>)
    %dma_wait3A_282 = arith.constant 1 : i32
    %dma_wait3A_283 = arith.constant 0 : i32
    %dma_wait3A_284 = arith.constant 0 : i32
    %dma_wait3A_285 = tpu.memref_slice %arg6[%dma_wait3A_282, %dma_wait3A_283, %dma_wait3A_284] : memref<6x64x256xf32, #tpu.memory_space<vmem>> -> memref<1x64x256xf32, #tpu.memory_space<vmem>>
    %dma_wait3A_286 = tpu.memref_squeeze %dma_wait3A_285 : memref<1x64x256xf32, #tpu.memory_space<vmem>> -> memref<64x256xf32, #tpu.memory_space<vmem>>
    %dma_wait3A_287 = arith.constant 448 : i32
    %dma_wait3A_288 = tpu.memref_slice %arg5[%dma_wait3A_287] : memref<512xi32, #tpu.memory_space<vmem>> -> memref<64xi32, #tpu.memory_space<vmem>>
    %dma_wait3A_289 = arith.constant 0 : i32
    %dma_wait3A_290 = arith.constant 0 : i32
    %dma_wait3A_291 = tpu.memref_slice %arg2[%dma_wait3A_289, %dma_wait3A_290] : memref<100000x256xf32, #tpu.memory_space<hbm>> -> memref<100000x256xf32, #tpu.memory_space<hbm>>
    tpu.wait_indirect_dma semaphore(%arg7 : memref<!tpu.dma_semaphore, #tpu.memory_space<semaphore_mem>>) src(%dma_wait3A_291 : memref<100000x256xf32, #tpu.memory_space<hbm>>) dst(%dma_wait3A_286 : memref<64x256xf32, #tpu.memory_space<vmem>>)
    %add3A_292 = arith.constant 448 : i32
    %add3A_293 = arith.addi %mul3A_2, %add3A_292 : i32
    %dma_start3A_294 = arith.constant 1 : i32
    %dma_start3A_295 = arith.constant 0 : i32
    %dma_start3A_296 = arith.constant 0 : i32
    %dma_start3A_297 = tpu.memref_slice %arg6[%dma_start3A_294, %dma_start3A_295, %dma_start3A_296] : memref<6x64x256xf32, #tpu.memory_space<vmem>> -> memref<1x64x256xf32, #tpu.memory_space<vmem>>
    %dma_start3A_298 = tpu.memref_squeeze %dma_start3A_297 : memref<1x64x256xf32, #tpu.memory_space<vmem>> -> memref<64x256xf32, #tpu.memory_space<vmem>>
    %dma_start3A_299 = arith.constant 0 : i32
    %dma_start3A_300 = tpu.memref_slice %arg4[%add3A_293, %dma_start3A_299] : memref<16384x256xf32, #tpu.memory_space<hbm>> -> memref<64x256xf32, #tpu.memory_space<hbm>>
    %dma_start3A_301 = arith.constant 0 : i32
    %dma_start3A_302 = tpu.memref_slice %arg4[%add3A_293, %dma_start3A_301] : memref<16384x256xf32, #tpu.memory_space<hbm>> -> memref<64x256xf32, #tpu.memory_space<hbm>>
    %dma_start3A_303 = arith.constant 0 : i32
    %dma_start3A_304 = arith.constant 0 : i32
    %dma_start3A_305 = tpu.memref_slice %arg6[%dma_start3A_294, %dma_start3A_303, %dma_start3A_304] : memref<6x64x256xf32, #tpu.memory_space<vmem>> -> memref<1x64x256xf32, #tpu.memory_space<vmem>>
    %dma_start3A_306 = tpu.memref_squeeze %dma_start3A_305 : memref<1x64x256xf32, #tpu.memory_space<vmem>> -> memref<64x256xf32, #tpu.memory_space<vmem>>
    tpu.enqueue_dma source(%dma_start3A_306 : memref<64x256xf32, #tpu.memory_space<vmem>>) target(%dma_start3A_302 : memref<64x256xf32, #tpu.memory_space<hbm>>) target_semaphore(%arg8 : memref<!tpu.dma_semaphore, #tpu.memory_space<semaphore_mem>>)
    %dma_wait3A_307 = arith.constant 2 : i32
    %dma_wait3A_308 = arith.constant 0 : i32
    %dma_wait3A_309 = arith.constant 0 : i32
    %dma_wait3A_310 = tpu.memref_slice %arg6[%dma_wait3A_307, %dma_wait3A_308, %dma_wait3A_309] : memref<6x64x256xf32, #tpu.memory_space<vmem>> -> memref<1x64x256xf32, #tpu.memory_space<vmem>>
    %dma_wait3A_311 = tpu.memref_squeeze %dma_wait3A_310 : memref<1x64x256xf32, #tpu.memory_space<vmem>> -> memref<64x256xf32, #tpu.memory_space<vmem>>
    %dma_wait3A_312 = arith.constant 0 : i32
    %dma_wait3A_313 = tpu.memref_slice %arg4[%add3A_168, %dma_wait3A_312] : memref<16384x256xf32, #tpu.memory_space<hbm>> -> memref<64x256xf32, #tpu.memory_space<hbm>>
    %dma_wait3A_314 = arith.constant 0 : i32
    %dma_wait3A_315 = tpu.memref_slice %arg4[%add3A_168, %dma_wait3A_314] : memref<16384x256xf32, #tpu.memory_space<hbm>> -> memref<64x256xf32, #tpu.memory_space<hbm>>
    %dma_wait3A_316 = arith.constant 0 : i32
    %dma_wait3A_317 = arith.constant 0 : i32
    %dma_wait3A_318 = tpu.memref_slice %arg6[%dma_wait3A_307, %dma_wait3A_316, %dma_wait3A_317] : memref<6x64x256xf32, #tpu.memory_space<vmem>> -> memref<1x64x256xf32, #tpu.memory_space<vmem>>
    %dma_wait3A_319 = tpu.memref_squeeze %dma_wait3A_318 : memref<1x64x256xf32, #tpu.memory_space<vmem>> -> memref<64x256xf32, #tpu.memory_space<vmem>>
    tpu.wait_dma2 semaphore(%arg8 : memref<!tpu.dma_semaphore, #tpu.memory_space<semaphore_mem>>) src(%dma_wait3A_319 : memref<64x256xf32, #tpu.memory_space<vmem>>) dst(%dma_wait3A_315 : memref<64x256xf32, #tpu.memory_space<hbm>>)
    %dma_wait3A_320 = arith.constant 3 : i32
    %dma_wait3A_321 = arith.constant 0 : i32
    %dma_wait3A_322 = arith.constant 0 : i32
    %dma_wait3A_323 = tpu.memref_slice %arg6[%dma_wait3A_320, %dma_wait3A_321, %dma_wait3A_322] : memref<6x64x256xf32, #tpu.memory_space<vmem>> -> memref<1x64x256xf32, #tpu.memory_space<vmem>>
    %dma_wait3A_324 = tpu.memref_squeeze %dma_wait3A_323 : memref<1x64x256xf32, #tpu.memory_space<vmem>> -> memref<64x256xf32, #tpu.memory_space<vmem>>
    %dma_wait3A_325 = arith.constant 0 : i32
    %dma_wait3A_326 = tpu.memref_slice %arg4[%add3A_193, %dma_wait3A_325] : memref<16384x256xf32, #tpu.memory_space<hbm>> -> memref<64x256xf32, #tpu.memory_space<hbm>>
    %dma_wait3A_327 = arith.constant 0 : i32
    %dma_wait3A_328 = tpu.memref_slice %arg4[%add3A_193, %dma_wait3A_327] : memref<16384x256xf32, #tpu.memory_space<hbm>> -> memref<64x256xf32, #tpu.memory_space<hbm>>
    %dma_wait3A_329 = arith.constant 0 : i32
    %dma_wait3A_330 = arith.constant 0 : i32
    %dma_wait3A_331 = tpu.memref_slice %arg6[%dma_wait3A_320, %dma_wait3A_329, %dma_wait3A_330] : memref<6x64x256xf32, #tpu.memory_space<vmem>> -> memref<1x64x256xf32, #tpu.memory_space<vmem>>
    %dma_wait3A_332 = tpu.memref_squeeze %dma_wait3A_331 : memref<1x64x256xf32, #tpu.memory_space<vmem>> -> memref<64x256xf32, #tpu.memory_space<vmem>>
    tpu.wait_dma2 semaphore(%arg8 : memref<!tpu.dma_semaphore, #tpu.memory_space<semaphore_mem>>) src(%dma_wait3A_332 : memref<64x256xf32, #tpu.memory_space<vmem>>) dst(%dma_wait3A_328 : memref<64x256xf32, #tpu.memory_space<hbm>>)
    %dma_wait3A_333 = arith.constant 4 : i32
    %dma_wait3A_334 = arith.constant 0 : i32
    %dma_wait3A_335 = arith.constant 0 : i32
    %dma_wait3A_336 = tpu.memref_slice %arg6[%dma_wait3A_333, %dma_wait3A_334, %dma_wait3A_335] : memref<6x64x256xf32, #tpu.memory_space<vmem>> -> memref<1x64x256xf32, #tpu.memory_space<vmem>>
    %dma_wait3A_337 = tpu.memref_squeeze %dma_wait3A_336 : memref<1x64x256xf32, #tpu.memory_space<vmem>> -> memref<64x256xf32, #tpu.memory_space<vmem>>
    %dma_wait3A_338 = arith.constant 0 : i32
    %dma_wait3A_339 = tpu.memref_slice %arg4[%add3A_218, %dma_wait3A_338] : memref<16384x256xf32, #tpu.memory_space<hbm>> -> memref<64x256xf32, #tpu.memory_space<hbm>>
    %dma_wait3A_340 = arith.constant 0 : i32
    %dma_wait3A_341 = tpu.memref_slice %arg4[%add3A_218, %dma_wait3A_340] : memref<16384x256xf32, #tpu.memory_space<hbm>> -> memref<64x256xf32, #tpu.memory_space<hbm>>
    %dma_wait3A_342 = arith.constant 0 : i32
    %dma_wait3A_343 = arith.constant 0 : i32
    %dma_wait3A_344 = tpu.memref_slice %arg6[%dma_wait3A_333, %dma_wait3A_342, %dma_wait3A_343] : memref<6x64x256xf32, #tpu.memory_space<vmem>> -> memref<1x64x256xf32, #tpu.memory_space<vmem>>
    %dma_wait3A_345 = tpu.memref_squeeze %dma_wait3A_344 : memref<1x64x256xf32, #tpu.memory_space<vmem>> -> memref<64x256xf32, #tpu.memory_space<vmem>>
    tpu.wait_dma2 semaphore(%arg8 : memref<!tpu.dma_semaphore, #tpu.memory_space<semaphore_mem>>) src(%dma_wait3A_345 : memref<64x256xf32, #tpu.memory_space<vmem>>) dst(%dma_wait3A_341 : memref<64x256xf32, #tpu.memory_space<hbm>>)
    %dma_wait3A_346 = arith.constant 5 : i32
    %dma_wait3A_347 = arith.constant 0 : i32
    %dma_wait3A_348 = arith.constant 0 : i32
    %dma_wait3A_349 = tpu.memref_slice %arg6[%dma_wait3A_346, %dma_wait3A_347, %dma_wait3A_348] : memref<6x64x256xf32, #tpu.memory_space<vmem>> -> memref<1x64x256xf32, #tpu.memory_space<vmem>>
    %dma_wait3A_350 = tpu.memref_squeeze %dma_wait3A_349 : memref<1x64x256xf32, #tpu.memory_space<vmem>> -> memref<64x256xf32, #tpu.memory_space<vmem>>
    %dma_wait3A_351 = arith.constant 0 : i32
    %dma_wait3A_352 = tpu.memref_slice %arg4[%add3A_243, %dma_wait3A_351] : memref<16384x256xf32, #tpu.memory_space<hbm>> -> memref<64x256xf32, #tpu.memory_space<hbm>>
    %dma_wait3A_353 = arith.constant 0 : i32
    %dma_wait3A_354 = tpu.memref_slice %arg4[%add3A_243, %dma_wait3A_353] : memref<16384x256xf32, #tpu.memory_space<hbm>> -> memref<64x256xf32, #tpu.memory_space<hbm>>
    %dma_wait3A_355 = arith.constant 0 : i32
    %dma_wait3A_356 = arith.constant 0 : i32
    %dma_wait3A_357 = tpu.memref_slice %arg6[%dma_wait3A_346, %dma_wait3A_355, %dma_wait3A_356] : memref<6x64x256xf32, #tpu.memory_space<vmem>> -> memref<1x64x256xf32, #tpu.memory_space<vmem>>
    %dma_wait3A_358 = tpu.memref_squeeze %dma_wait3A_357 : memref<1x64x256xf32, #tpu.memory_space<vmem>> -> memref<64x256xf32, #tpu.memory_space<vmem>>
    tpu.wait_dma2 semaphore(%arg8 : memref<!tpu.dma_semaphore, #tpu.memory_space<semaphore_mem>>) src(%dma_wait3A_358 : memref<64x256xf32, #tpu.memory_space<vmem>>) dst(%dma_wait3A_354 : memref<64x256xf32, #tpu.memory_space<hbm>>)
    %dma_wait3A_359 = arith.constant 0 : i32
    %dma_wait3A_360 = arith.constant 0 : i32
    %dma_wait3A_361 = arith.constant 0 : i32
    %dma_wait3A_362 = tpu.memref_slice %arg6[%dma_wait3A_359, %dma_wait3A_360, %dma_wait3A_361] : memref<6x64x256xf32, #tpu.memory_space<vmem>> -> memref<1x64x256xf32, #tpu.memory_space<vmem>>
    %dma_wait3A_363 = tpu.memref_squeeze %dma_wait3A_362 : memref<1x64x256xf32, #tpu.memory_space<vmem>> -> memref<64x256xf32, #tpu.memory_space<vmem>>
    %dma_wait3A_364 = arith.constant 0 : i32
    %dma_wait3A_365 = tpu.memref_slice %arg4[%add3A_268, %dma_wait3A_364] : memref<16384x256xf32, #tpu.memory_space<hbm>> -> memref<64x256xf32, #tpu.memory_space<hbm>>
    %dma_wait3A_366 = arith.constant 0 : i32
    %dma_wait3A_367 = tpu.memref_slice %arg4[%add3A_268, %dma_wait3A_366] : memref<16384x256xf32, #tpu.memory_space<hbm>> -> memref<64x256xf32, #tpu.memory_space<hbm>>
    %dma_wait3A_368 = arith.constant 0 : i32
    %dma_wait3A_369 = arith.constant 0 : i32
    %dma_wait3A_370 = tpu.memref_slice %arg6[%dma_wait3A_359, %dma_wait3A_368, %dma_wait3A_369] : memref<6x64x256xf32, #tpu.memory_space<vmem>> -> memref<1x64x256xf32, #tpu.memory_space<vmem>>
    %dma_wait3A_371 = tpu.memref_squeeze %dma_wait3A_370 : memref<1x64x256xf32, #tpu.memory_space<vmem>> -> memref<64x256xf32, #tpu.memory_space<vmem>>
    tpu.wait_dma2 semaphore(%arg8 : memref<!tpu.dma_semaphore, #tpu.memory_space<semaphore_mem>>) src(%dma_wait3A_371 : memref<64x256xf32, #tpu.memory_space<vmem>>) dst(%dma_wait3A_367 : memref<64x256xf32, #tpu.memory_space<hbm>>)
    %dma_wait3A_372 = arith.constant 1 : i32
    %dma_wait3A_373 = arith.constant 0 : i32
    %dma_wait3A_374 = arith.constant 0 : i32
    %dma_wait3A_375 = tpu.memref_slice %arg6[%dma_wait3A_372, %dma_wait3A_373, %dma_wait3A_374] : memref<6x64x256xf32, #tpu.memory_space<vmem>> -> memref<1x64x256xf32, #tpu.memory_space<vmem>>
    %dma_wait3A_376 = tpu.memref_squeeze %dma_wait3A_375 : memref<1x64x256xf32, #tpu.memory_space<vmem>> -> memref<64x256xf32, #tpu.memory_space<vmem>>
    %dma_wait3A_377 = arith.constant 0 : i32
    %dma_wait3A_378 = tpu.memref_slice %arg4[%add3A_293, %dma_wait3A_377] : memref<16384x256xf32, #tpu.memory_space<hbm>> -> memref<64x256xf32, #tpu.memory_space<hbm>>
    %dma_wait3A_379 = arith.constant 0 : i32
    %dma_wait3A_380 = tpu.memref_slice %arg4[%add3A_293, %dma_wait3A_379] : memref<16384x256xf32, #tpu.memory_space<hbm>> -> memref<64x256xf32, #tpu.memory_space<hbm>>
    %dma_wait3A_381 = arith.constant 0 : i32
    %dma_wait3A_382 = arith.constant 0 : i32
    %dma_wait3A_383 = tpu.memref_slice %arg6[%dma_wait3A_372, %dma_wait3A_381, %dma_wait3A_382] : memref<6x64x256xf32, #tpu.memory_space<vmem>> -> memref<1x64x256xf32, #tpu.memory_space<vmem>>
    %dma_wait3A_384 = tpu.memref_squeeze %dma_wait3A_383 : memref<1x64x256xf32, #tpu.memory_space<vmem>> -> memref<64x256xf32, #tpu.memory_space<vmem>>
    tpu.wait_dma2 semaphore(%arg8 : memref<!tpu.dma_semaphore, #tpu.memory_space<semaphore_mem>>) src(%dma_wait3A_384 : memref<64x256xf32, #tpu.memory_space<vmem>>) dst(%dma_wait3A_380 : memref<64x256xf32, #tpu.memory_space<hbm>>)
    return
  }
}

module attributes {stable_mosaic.version = 14 : i64} {
  func.func @_dense_body(%arg0: i32, %arg1: i32, %arg2: memref<4096x256xf32, #tpu.memory_space<vmem>>, %arg3: memref<128x256xf32, #tpu.memory_space<vmem>>, %arg4: memref<1x128xf32, #tpu.memory_space<vmem>>, %arg5: memref<1x128xf32, #tpu.memory_space<vmem>>, %arg6: memref<4096x128xf32, #tpu.memory_space<vmem>>, %arg7: memref<16384x128xf32, #tpu.memory_space<vmem>>, %arg8: memref<2x128xf32, #tpu.memory_space<vmem>>) attributes {dimension_semantics = [#tpu.dimension_semantics<arbitrary>, #tpu.dimension_semantics<arbitrary>], iteration_bounds = array<i64: 2, 4>, scalar_prefetch = 0 : i64, scratch_operands = 2 : i64, tpu.core_type = #tpu.core_type<tc>, window_params = [{transform_indices = @transform_0, window_bounds = array<i64: 4096, 256>}, {pipeline_mode = #tpu.pipeline_mode<synchronous>, transform_indices = @transform_1, window_bounds = array<i64: 128, 256>}, {pipeline_mode = #tpu.pipeline_mode<synchronous>, transform_indices = @transform_2, window_bounds = array<i64: 1, 128>}, {pipeline_mode = #tpu.pipeline_mode<synchronous>, transform_indices = @transform_3, window_bounds = array<i64: 1, 128>}, {transform_indices = @transform_4, window_bounds = array<i64: 4096, 128>}]} {
    %eq3A = arith.constant 0 : i32
    %eq3A_0 = arith.cmpi eq, %arg0, %eq3A : i32
    %convert_element_type3A = arith.extui %eq3A_0 : i1 to i32
    %cond3A = arith.constant 0 : i32
    %cond3A_1 = arith.cmpi ne, %convert_element_type3A, %cond3A : i32
    scf.if %cond3A_1 {
      %get3A = arith.constant 0 : index
      %get3A_7 = arith.constant 0 : index
      %get3A_8 = vector.load %arg2[%get3A, %get3A_7] : memref<4096x256xf32, #tpu.memory_space<vmem>>, vector<4096x256xf32>
      %get3A_9 = arith.constant 0 : index
      %get3A_10 = arith.constant 0 : index
      %get3A_11 = vector.load %arg3[%get3A_9, %get3A_10] : memref<128x256xf32, #tpu.memory_space<vmem>>, vector<128x256xf32>
      %dot_general3A = arith.constant dense<0.000000e+00> : vector<4096x128xf32>
      %dot_general3A_12 = tpu.matmul %get3A_8, %get3A_11, %dot_general3A {dimension_numbers = #tpu.dot_dimension_numbers<[1], [1], [0], [0], [0, 0, 1, 0], [], []>, transpose_lhs_hint = false} : vector<4096x256xf32>, vector<128x256xf32>, vector<4096x128xf32> -> vector<4096x128xf32>
      %max3A = arith.constant 0.000000e+00 : f32
      %max3A_13 = vector.broadcast %max3A : f32 to vector<4096x128xf32>
      %max3A_14 = arith.maximumf %dot_general3A_12, %max3A_13 : vector<4096x128xf32>
      %mul3A = arith.constant 4096 : i32
      %mul3A_15 = arith.muli %arg1, %mul3A : i32
      %swap3A = arith.index_cast %mul3A_15 : i32 to index
      %swap3A_16 = arith.constant 0 : index
      %swap3A_17 = vector.load %arg7[%swap3A, %swap3A_16] : memref<16384x128xf32, #tpu.memory_space<vmem>>, vector<4096x128xf32>
      tpu.vector_store %arg7[%swap3A, %swap3A_16], %max3A_14 {strides = array<i32>} : memref<16384x128xf32, #tpu.memory_space<vmem>>, vector<4096x128xf32>,
      %reduce_sum3A = arith.constant dense<0.000000e+00> : vector<128xf32>
      %reduce_sum3A_18 = vector.multi_reduction <add>, %max3A_14, %reduce_sum3A [0] : vector<4096x128xf32> to vector<128xf32>
      %broadcast_in_dim3A = vector.shape_cast %reduce_sum3A_18 : vector<128xf32> to vector<1x128xf32>
      %mul3A_19 = arith.mulf %max3A_14, %max3A_14 : vector<4096x128xf32>
      %reduce_sum3A_20 = arith.constant dense<0.000000e+00> : vector<128xf32>
      %reduce_sum3A_21 = vector.multi_reduction <add>, %mul3A_19, %reduce_sum3A_20 [0] : vector<4096x128xf32> to vector<128xf32>
      %broadcast_in_dim3A_22 = vector.shape_cast %reduce_sum3A_21 : vector<128xf32> to vector<1x128xf32>
      %concatenate3A = tpu.concatenate %broadcast_in_dim3A, %broadcast_in_dim3A_22 in 0 : vector<1x128xf32>, vector<1x128xf32> -> vector<2x128xf32>
      %eq3A_23 = arith.constant 0 : i32
      %eq3A_24 = arith.cmpi eq, %arg1, %eq3A_23 : i32
      %convert_element_type3A_25 = arith.extui %eq3A_24 : i1 to i32
      %cond3A_26 = arith.constant 0 : i32
      %cond3A_27 = arith.cmpi ne, %convert_element_type3A_25, %cond3A_26 : i32
      scf.if %cond3A_27 {
        %swap3A_32 = arith.constant 0 : index
        %swap3A_33 = arith.constant 0 : index
        %swap3A_34 = vector.load %arg8[%swap3A_32, %swap3A_33] : memref<2x128xf32, #tpu.memory_space<vmem>>, vector<2x128xf32>
        tpu.vector_store %arg8[%swap3A_32, %swap3A_33], %concatenate3A {strides = array<i32>} : memref<2x128xf32, #tpu.memory_space<vmem>>, vector<2x128xf32>,
      } else {
      }
      %gt3A = arith.constant 0 : i32
      %gt3A_28 = arith.cmpi sgt, %arg1, %gt3A : i32
      %convert_element_type3A_29 = arith.extui %gt3A_28 : i1 to i32
      %cond3A_30 = arith.constant 0 : i32
      %cond3A_31 = arith.cmpi ne, %convert_element_type3A_29, %cond3A_30 : i32
      scf.if %cond3A_31 {
        %get3A_32 = arith.constant 0 : index
        %get3A_33 = arith.constant 0 : index
        %get3A_34 = vector.load %arg8[%get3A_32, %get3A_33] : memref<2x128xf32, #tpu.memory_space<vmem>>, vector<2x128xf32>
        %add3A = arith.addf %get3A_34, %concatenate3A : vector<2x128xf32>
        %swap3A_35 = arith.constant 0 : index
        %swap3A_36 = arith.constant 0 : index
        %swap3A_37 = vector.load %arg8[%swap3A_35, %swap3A_36] : memref<2x128xf32, #tpu.memory_space<vmem>>, vector<2x128xf32>
        tpu.vector_store %arg8[%swap3A_35, %swap3A_36], %add3A {strides = array<i32>} : memref<2x128xf32, #tpu.memory_space<vmem>>, vector<2x128xf32>,
      } else {
      }
    } else {
    }
    %eq3A_2 = arith.constant 1 : i32
    %eq3A_3 = arith.cmpi eq, %arg0, %eq3A_2 : i32
    %convert_element_type3A_4 = arith.extui %eq3A_3 : i1 to i32
    %cond3A_5 = arith.constant 0 : i32
    %cond3A_6 = arith.cmpi ne, %convert_element_type3A_4, %cond3A_5 : i32
    scf.if %cond3A_6 {
      %get3A = arith.constant 0 : index
      %get3A_7 = arith.constant 0 : index
      %get3A_8 = vector.load %arg8[%get3A, %get3A_7] : memref<2x128xf32, #tpu.memory_space<vmem>>, vector<2x128xf32>
      %slice3A = vector.extract_strided_slice %get3A_8 {offsets = [0, 0], sizes = [1, 128], strides = [1, 1]} : vector<2x128xf32> to vector<1x128xf32>
      %mul3A = arith.constant 6.10351563E-5 : f32
      %mul3A_9 = vector.broadcast %mul3A : f32 to vector<1x128xf32>
      %mul3A_10 = arith.mulf %slice3A, %mul3A_9 : vector<1x128xf32>
      %slice3A_11 = vector.extract_strided_slice %get3A_8 {offsets = [1, 0], sizes = [1, 128], strides = [1, 1]} : vector<2x128xf32> to vector<1x128xf32>
      %mul3A_12 = arith.constant 6.10351563E-5 : f32
      %mul3A_13 = vector.broadcast %mul3A_12 : f32 to vector<1x128xf32>
      %mul3A_14 = arith.mulf %slice3A_11, %mul3A_13 : vector<1x128xf32>
      %mul3A_15 = arith.mulf %mul3A_10, %mul3A_10 : vector<1x128xf32>
      %sub3A = arith.subf %mul3A_14, %mul3A_15 : vector<1x128xf32>
      %get3A_16 = arith.constant 0 : index
      %get3A_17 = arith.constant 0 : index
      %get3A_18 = vector.load %arg4[%get3A_16, %get3A_17] : memref<1x128xf32, #tpu.memory_space<vmem>>, vector<1x128xf32>
      %add3A = arith.constant 9.99999974E-6 : f32
      %add3A_19 = vector.broadcast %add3A : f32 to vector<1x128xf32>
      %add3A_20 = arith.addf %sub3A, %add3A_19 : vector<1x128xf32>
      %rsqrt3A = math.rsqrt %add3A_20 : vector<1x128xf32>
      %mul3A_21 = arith.mulf %get3A_18, %rsqrt3A : vector<1x128xf32>
      %mul3A_22 = arith.constant 4096 : i32
      %mul3A_23 = arith.muli %arg1, %mul3A_22 : i32
      %get3A_24 = arith.index_cast %mul3A_23 : i32 to index
      %get3A_25 = arith.constant 0 : index
      %get3A_26 = vector.load %arg7[%get3A_24, %get3A_25] : memref<16384x128xf32, #tpu.memory_space<vmem>>, vector<4096x128xf32>
      %sub3A_27 = vector.broadcast %mul3A_10 : vector<1x128xf32> to vector<4096x128xf32>
      %sub3A_28 = arith.subf %get3A_26, %sub3A_27 : vector<4096x128xf32>
      %mul3A_29 = vector.broadcast %mul3A_21 : vector<1x128xf32> to vector<4096x128xf32>
      %mul3A_30 = arith.mulf %mul3A_29, %sub3A_28 : vector<4096x128xf32>
      %get3A_31 = arith.constant 0 : index
      %get3A_32 = arith.constant 0 : index
      %get3A_33 = vector.load %arg5[%get3A_31, %get3A_32] : memref<1x128xf32, #tpu.memory_space<vmem>>, vector<1x128xf32>
      %add3A_34 = vector.broadcast %get3A_33 : vector<1x128xf32> to vector<4096x128xf32>
      %add3A_35 = arith.addf %mul3A_30, %add3A_34 : vector<4096x128xf32>
      %swap3A = arith.constant 0 : index
      %swap3A_36 = arith.constant 0 : index
      %swap3A_37 = vector.load %arg6[%swap3A, %swap3A_36] : memref<4096x128xf32, #tpu.memory_space<vmem>>, vector<4096x128xf32>
      tpu.vector_store %arg6[%swap3A, %swap3A_36], %add3A_35 {strides = array<i32>} : memref<4096x128xf32, #tpu.memory_space<vmem>>, vector<4096x128xf32>,
    } else {
    }
    return
  }
  func.func @transform_0(%arg0: i32, %arg1: i32) -> (i32, i32) {
    %eq3A = arith.constant 0 : i32
    %eq3A_0 = arith.cmpi eq, %arg0, %eq3A : i32
    %jit3A = arith.constant 3 : i32
    %select_n3A = arith.select %eq3A_0, %arg1, %jit3A : i32
    %c0_i32 = arith.constant 0 : i32
    %c0_i32_1 = arith.constant 0 : i32
    return %select_n3A, %c0_i32 : i32, i32
  }
  func.func @transform_1(%arg0: i32, %arg1: i32) -> (i32, i32) {
    %c0_i32 = arith.constant 0 : i32
    %c0_i32_0 = arith.constant 0 : i32
    %c0_i32_1 = arith.constant 0 : i32
    return %c0_i32, %c0_i32_0 : i32, i32
  }
  func.func @transform_2(%arg0: i32, %arg1: i32) -> (i32, i32) {
    %c0_i32 = arith.constant 0 : i32
    %c0_i32_0 = arith.constant 0 : i32
    %c0_i32_1 = arith.constant 0 : i32
    return %c0_i32, %c0_i32_0 : i32, i32
  }
  func.func @transform_3(%arg0: i32, %arg1: i32) -> (i32, i32) {
    %c0_i32 = arith.constant 0 : i32
    %c0_i32_0 = arith.constant 0 : i32
    %c0_i32_1 = arith.constant 0 : i32
    return %c0_i32, %c0_i32_0 : i32, i32
  }
  func.func @transform_4(%arg0: i32, %arg1: i32) -> (i32, i32) {
    %eq3A = arith.constant 0 : i32
    %eq3A_0 = arith.cmpi eq, %arg0, %eq3A : i32
    %jit3A = arith.constant 0 : i32
    %select_n3A = arith.select %eq3A_0, %jit3A, %arg1 : i32
    %c0_i32 = arith.constant 0 : i32
    %c0_i32_1 = arith.constant 0 : i32
    return %select_n3A, %c0_i32 : i32, i32
  }
}

</mosaic_0001>

<sc_bundles>
// kernel: kernel.4.cloned.1.call-start
scs
__scs_entry_jumppad:
0x0: {  	(pc) =	sbr.rel $0x88, $3  }
0x1: {  	(tag) =	ssettag $0x0;
	lr =	simm.s32 $0x1  }
0x2: {  	[smem:$0x3F9C] =	sst lr;
	_ =	strace $0xD0000000  }
0x3: {  	_ = 	snop  }
0x4: {  	_ = 	snop  }
0x5: {  	_ = 	snop  }
0x6: {  	_ = 	snop  }
0x7: {  	_ = 	snop  }
__scs_overlays_trampoline_lowered:
0x8: {  	[smem:$0x3FAB] =	sst s0  }
0x9: {  	[smem:$0x3FAC] =	sst s1  }
0xa: {  	[smem:$0x3FAD] =	sst s2  }
0xb: {  	[smem:$0x3FAE] =	sst s3  }
0xc: {  	[smem:$0x3FAF] =	sst s4  }
0xd: {  	[smem:$0x3FB0] =	sst s5  }
0xe: {  	[smem:$0x3FB1] =	sst s6  }
0xf: {  	[smem:$0x3FB2] =	sst s7  }
0x10: {  	[smem:$0x3FB3] =	sst s8  }
0x11: {  	[smem:$0x3FB4] =	sst s9;
	s0 =	simm.s32 @!p0 $0x0  }
0x12: {  	s1 =	sld [smem:$0x3F9A];
	s0 =	simm.s32 @p0 $0x1  }
0x13: {  	[smem:$0x3FB5] =	sst s0;
	s0 =	simm.s32 @!p1 $0x0  }
0x14: {  	s2 =	sld [smem:$0x3F99];
	s0 =	simm.s32 @p1 $0x1  }
0x15: {  	[smem:$0x3FB6] =	sst s0;
	s0 =	simm.s32 @!p2 $0x0  }
0x16: {  	s3 =	sld [smem:$0x3FDB];
	s0 =	simm.s32 @p2 $0x1  }
0x17: {  	s4 =	simm.s32 $0x1BF5;
	[smem:$0x3FB8] =	sst s0  }
0x18: {  	s0 =	sld [smem:$0x3F9B];
	_ =	swait.ge [sflag:s4], $0x0  }
0x19: {  	s7 =	sld [smem:$0x3F9C]  }
0x1a: {  	s8 =	sadd.s32 $0xFFFFE003, lr  }
0x1b: {  	s9 =	sadd.s32 $0xFFFFFEF7, lr;
	s5 =	simm.s32 $0xFFFFFFFF;
	p2 =	slt.u32 s8, $0xFFFFF086  }
0x1c: {  	p1 =	slt.u32 s9, $0xF7A;
	s5 =	simm.s32 @!p2 $0x0  }
0x1d: {  	s5 =	simm.s32 @p1 $0x1;
	p0 =	seq.s32 s7, s2  }
0x1e: {  	s7 =	smul.u32 @!p0 $0xF7A, s2;
	p2 =	seq.s32 @!p0 s5, $0x0  }
0x1f: {  	s9 =	smul.u32 $0xF7A, s1;
	s8 =	simm.s32 @!p0 $0x1BF5;
	p2 =	por !p2, p0  }
0x20: {  	[sflag:s8] =	ssyncset.s32 @!p0 $0xFFFFF086;
	s6 =	sadd.s32 @!p0 s3, s7;
	s7 =	simm.s32 @!p0 $0x108  }
0x21: {  	s3 =	sadd.s32 s3, s9;
	s6 =	sadd.s32 @!p0 $0x88, s6;
	s7 =	simm.s32 @p2 $0x1082  }
0x22: {  	[simem:s7], [sflag:s8] =	dma.local @!p0 [hbm:s6], $0xF7A  }
0x23: {  	s9 =	sor.u32 $0xD0000000, s2;
	s6 =	simm.s32 $0x108;
	_ =	swait.ge @!p0 [sflag:s8], $0x0  }
0x24: {  	s3 =	sadd.s32 $0x88, s3;
	s6 =	simm.s32 @!p1 $0x1082;
	[sflag:s4] =	ssyncset.s32 $0xFFFFF086  }
0x25: {  	[simem:s6], [sflag:s4] =	dma.local [hbm:s3], $0xF7A  }
0x26: {  	[smem:$0x3F9C] =	sst s1;
	(tag) =	ssettag s2;
	_ =	strace s9  }
0x27: {  	s1 =	sld [smem:$0x3FAC]  }
0x28: {  	s2 =	sld [smem:$0x3FAD]  }
0x29: {  	s4 =	sld [smem:$0x3FAF]  }
0x2a: {  	p0 =	seq.s32 s5, $0x0;
	s5 =	sld [smem:$0x3FB0]  }
0x2b: {  	s6 =	sld [smem:$0x3FB1]  }
0x2c: {  	s7 =	sld [smem:$0x3FB2]  }
0x2d: {  	s3 =	simm.s32 $0x108;
	s8 =	sld [smem:$0x3FB3]  }
0x2e: {  	s3 =	simm.s32 @!p0 $0x1082;
	s9 =	sld [smem:$0x3FB4]  }
0x2f: {  	lr =	sadd.s32 s0, s3;
	s0 =	sld [smem:$0x3FAB]  }
0x30: {  	s3 =	sld [smem:$0x3FAE]  }
0x31: {  	[smem:$0x3FB7] =	sst s10  }
0x32: {  	s10 =	sld [smem:$0x3FB5];
	_ =	sdelay $0x3  }
0x33: {  	p0 =	seq.s32 s10, $0x1;
	s10 =	sld [smem:$0x3FB7];
	_ =	sdelay $0x3  }
0x34: {  	[smem:$0x3FB7] =	sst s10  }
0x35: {  	s10 =	sld [smem:$0x3FB6];
	_ =	sdelay $0x3  }
0x36: {  	p1 =	seq.s32 s10, $0x1;
	s10 =	sld [smem:$0x3FB7];
	_ =	sdelay $0x3  }
0x37: {  	[smem:$0x3FB7] =	sst s10  }
0x38: {  	s10 =	sld [smem:$0x3FB8]  }
0x39: {  	_ = 	snop;
	(pc) =	sbr.ind lr, $3  }
0x3a: {  	_ = 	snop  }
0x3b: {  	_ = 	snop  }
0x3c: {  	p2 =	seq.s32 s10, $0x1;
	s10 =	sld [smem:$0x3FB7]  }
0x3d: {  	_ =	shalt  }
0x3e: {  	_ =	shalt  }
0x3f: {  	_ =	shalt  }
0x40: {  	_ =	shalt  }
0x41: {  	_ =	shalt  }
0x42: {  	_ =	shalt  }
0x43: {  	_ =	shalt  }
0x44: {  	_ =	shalt  }
0x45: {  	_ =	shalt  }
0x46: {  	_ =	shalt  }
0x47: {  	_ =	shalt  }
0x48: {  	_ =	shalt  }
0x49: {  	_ =	shalt  }
0x4a: {  	_ =	shalt  }
0x4b: {  	_ =	shalt  }
0x4c: {  	_ =	shalt  }
0x4d: {  	_ =	shalt  }
0x4e: {  	_ =	shalt  }
0x4f: {  	_ =	shalt  }
0x50: {  	_ =	shalt  }
0x51: {  	_ =	shalt  }
0x52: {  	_ =	shalt  }
0x53: {  	_ =	shalt  }
0x54: {  	_ =	shalt  }
0x55: {  	_ =	shalt  }
0x56: {  	_ =	shalt  }
0x57: {  	_ =	shalt  }
0x58: {  	_ =	shalt  }
0x59: {  	_ =	shalt  }
0x5a: {  	_ =	shalt  }
0x5b: {  	_ =	shalt  }
0x5c: {  	_ =	shalt  }
0x5d: {  	_ =	shalt  }
0x5e: {  	_ =	shalt  }
0x5f: {  	_ =	shalt  }
0x60: {  	_ =	shalt  }
0x61: {  	_ =	shalt  }
0x62: {  	_ =	shalt  }
0x63: {  	_ =	shalt  }
0x64: {  	_ =	shalt  }
0x65: {  	_ =	shalt  }
0x66: {  	_ =	shalt  }
0x67: {  	_ =	shalt  }
0x68: {  	_ =	shalt  }
0x69: {  	_ =	shalt  }
0x6a: {  	_ =	shalt  }
0x6b: {  	_ =	shalt  }
0x6c: {  	_ =	shalt  }
0x6d: {  	_ =	shalt  }
0x6e: {  	_ =	shalt  }
0x6f: {  	_ =	shalt  }
0x70: {  	_ =	shalt  }
0x71: {  	_ =	shalt  }
0x72: {  	_ =	shalt  }
0x73: {  	_ =	shalt  }
0x74: {  	_ =	shalt  }
0x75: {  	_ =	shalt  }
0x76: {  	_ =	shalt  }
0x77: {  	_ =	shalt  }
0x78: {  	_ =	shalt  }
0x79: {  	_ =	shalt  }
0x7a: {  	_ =	shalt  }
0x7b: {  	_ =	shalt  }
0x7c: {  	_ =	shalt  }
0x7d: {  	_ =	shalt  }
0x7e: {  	_ =	shalt  }
0x7f: {  	_ =	shalt  }
0x80: {  	_ =	shalt  }
0x81: {  	_ =	shalt  }
0x82: {  	_ =	shalt  }
0x83: {  	_ =	shalt  }
0x84: {  	_ =	shalt  }
0x85: {  	_ =	shalt  }
0x86: {  	_ =	shalt  }
0x87: {  	_ =	shalt  }
.Lfunc_end0:
.L_simem_size_0:
called_computation_lowered:
.L_overlay_start_0:
0x88: {  	s2 =	sld [smem:$0x3FD9]  }
0x89: {  	s3 =	sld [smem:$0x3FFE];
	_ =	sdelay $0x1  }
0x8a: {  	s1 =	srdreg.scid  }
0x8b: {  	s0 =	sand.u32 $0x1, s1  }
0x8c: {  	s17 =	sshll.u32 s0, $0xA;
	s2 =	sadd.s32 s3, s2  }
0x8d: {  	s2 =	sadd.s32 s2, s17  }
0x8e: {  	[smem:$0x3FC3] =	sst s2  }
0x8f: {  	_ = 	snop  }
0x90: {  	s2 =	sld [smem:$0x3FC9]  }
0x91: {  	s18 =	sld [smem:$0x3FC8];
	(tm) =	ssettm $0x1  }
0x92: {  	s4 =	sld [smem:$0x3FFB];
	_ =	sdelay $0x3  }
0x93: {  	_ =	strace s4  }
0x94: {  	s4 =	sld [smem:$0x3FFC];
	_ =	sdelay $0x3  }
0x95: {  	_ =	strace s4  }
0x96: {  	s4 =	sld [smem:$0x3FFD];
	_ =	sdelay $0x3  }
0x97: {  	_ =	strace s4  }
0x98: {  	_ =	strace $0x8FFFFFFF  }
0x99: {  	s19 =	sld [smem:$0x3FDB];
	_ =	sdelay $0x1  }
0x9a: {  	s5 =	simm.s32 $_scs_section_size  }
0x9b: {  	s6 =	simm.s32 $_size__tile_overlayer_lowered;
	s7 =	simm.s32 $_tile_overlayer_lowered  }
0x9c: {  	s22 =	simm.s32 $0x1BFF;
	s21 =	sshll.u32 s7, $0x1;
	s4 =	sadd.s32 s5, s19  }
0x9d: {  	s8 =	simm.s32 $0x0;
	s20 =	sshll.u32 s6, $0x1;
	s6 =	sadd.s32 s21, s4  }
0x9e: {  	[timem:s8], [sflag:s22] =	dma.local [hbm:s6], s20  }
0x9f: {  	_ =	swait.ge [sflag:s22], s20  }
0xa0: {  	s5 =	ssub.s32 $0x0, s20;
	[sflag:s22] =	ssyncset.done $0x0  }
0xa1: {  	[sflag:s22] =	ssyncadd.s32 s5;
	_ =	sdelay $0x1  }
0xa2: {  	s23 =	simm.s32 $0x1B8B  }
0xa3: {  	_ =	swait.ge [sflag:s23], $0x1  }
0xa4: {  	[sflag:s23] =	ssyncset.done $0x0  }
0xa5: {  	s25 =	simm.s32 $0x1B8E;
	s24 =	sld [smem:$0x3FFE];
	[sflag:s23] =	ssyncadd.s32 $0xFFFFFFFF  }
0xa6: {  	s26 =	simm.s32 $execute0_lowered;
	[smem:$0x3FD2] =	sst s25  }
0xa7: {  	s6 =	sshll.u32 s26, $0x1;
	_ =	strace $0x80000046;
	[dreg:$0x1] =	wrdreg $0xFFFFFFFF  }
0xa8: {  	s28 =	simm.s32 $_size_execute0_lowered;
	s4 =	sadd.s32 s4, s6;
	[dreg:$0x0] =	wrdreg $0x0  }
0xa9: {  	s6 =	sshll.u32 s28, $0x1;
	[dreg:$0x2] =	wrdreg s4  }
0xaa: {  	[dreg:$0x3] =	wrdreg s6  }
0xab: {  	[dreg:$0x4] =	wrdreg $0xC0  }
0xac: {  	_ =	task [dreg:s8], $0x5FFFF  }
0xad: {  	[dreg:$0x1] =	wrdreg $0xFFFFFFFF  }
0xae: {  	[dreg:$0x0] =	wrdreg $0x60  }
0xaf: {  	[dreg:$0x2] =	wrdreg s18  }
0xb0: {  	[dreg:$0x3] =	wrdreg s2  }
0xb1: {  	[dreg:$0x4] =	wrdreg s24  }
0xb2: {  	[dreg:$0x5] =	wrdreg $0x9  }
0xb3: {  	_ =	task.clear_ibuf [dreg:s8], $0x6FFFF;
	_ =	strace $0x90000046  }
0xb4: {  	s29 =	simm.s32 $0x9;
	_ =	strace $0x80000048  }
0xb5: {  	_ =	swait.ge [sflag:s29], $0x1  }
0xb6: {  	[sflag:s29] =	ssyncadd.s32 $0xFFFFFFFF  }
0xb7: {  	_ =	strace $0x90000048  }
0xb8: {  	_ =	sfence  }
0xb9: {  	s30 =	sld [smem:$0x0];
	_ =	sdelay $0x2  }
0xba: {  	s31 =	sshll.u32 s1, $0xD;
	s1 =	sshrl.u32 s1, $0x2  }
0xbb: {  	s3 =	sand.u32 $0x4000, s31;
	s1 =	sadd.s32 s1, s30  }
0xbc: {  	s0 =	sor.u32 s3, s0;
	s1 =	sshll.u32 s1, $0x11  }
0xbd: {  	s0 =	sor.u32 s1, s0  }
0xbe: {  	s0 =	sadd.s32 $0x8F2B, s0  }
0xbf: {  	[sflag:s0] =	ssyncadd.remote.s32 $0x1  }
0xc0: {  	_ =	sfence.sel $0xFFFF  }
0xc1: {  	[dreg:$0x0] =	wrdreg $0xFFFFFFFF;
	(pc) =	sbr.abs _section_cstart, $3  }
0xc2: {  	[dreg:$0x1] =	wrdreg $0xFFFFFFFF  }
0xc3: {  	_ =	task.clear_ibuf [dreg:s8], $0x2FFFF;
	_ =	strace $0x9FFFFFFF  }
0xc4: {  	(tm) =	ssettm $0x7FFFFFFF  }
0xc5: {  	_ =	shalt  }
tec
execute0_lowered:
.L_overlay_start_1:
0x0: {  	(tag) =	ssettag $0x1  }
0x1: {  	s1 =	rddreg [dreg:$0x0]  }
0x2: {  	s2 =	srdreg.scid;
	s4 =	rddreg [dreg:$0x1]  }
0x3: {  	s0 =	stileid.u32;
	s5 =	rddreg [dreg:$0x2];
	s3 =	simm.s32 $0x0  }
0x4: {  	s24 =	simm.s32 $0x8A00;
	s25 =	simm.s32 $0x9200;
	[smem:$0x7FF] =	sst s3  }
0x5: {  	s8 =	simm.s32 $0xB200;
	_ =	strace $0x80000047;
	[dreg:$0xd] =	wrdreg s24  }
0x6: {  	s6 =	sshll.u32 s0, $0xA;
	s0 =	simm.s32 $0x9A00;
	[dreg:$0xe] =	wrdreg s25  }
0x7: {  	s9 =	simm.s32 $0xBA00;
	s10 =	simm.s32 $0xCA00;
	[dreg:$0xf] =	wrdreg s0  }
0x8: {  	s11 =	simm.s32 $0xD200;
	s12 =	simm.s32 $0xDA00;
	[dreg:$0x12] =	wrdreg s8  }
0x9: {  	s13 =	simm.s32 $0xE200;
	s14 =	simm.s32 $0xEA00;
	[dreg:$0x13] =	wrdreg s9  }
0xa: {  	s15 =	simm.s32 $0xF200;
	s28 =	simm.s32 $0x16A00;
	[dreg:$0x14] =	wrdreg s10  }
0xb: {  	s29 =	simm.s32 $0x17200;
	s30 =	simm.s32 $0x17A00;
	[dreg:$0x15] =	wrdreg s11  }
0xc: {  	s31 =	simm.s32 $0x1;
	s2 =	sand.u32 $0x1, s2;
	[dreg:$0x16] =	wrdreg s12  }
0xd: {  	s7 =	sshll.u32 s2, $0x9;
	s2 =	ssub.s32 $0x2, s2;
	[dreg:$0x17] =	wrdreg s13  }
0xe: {  	s8 =	simm.s32 $0x1200;
	s9 =	simm.s32 $0x1A00;
	[dreg:$0x18] =	wrdreg s14  }
0xf: {  	s10 =	simm.s32 $0x2200;
	[dreg:$0x19] =	wrdreg s15;
	s24 =	simm.s32 $0x14A00  }
0x10: {  	s25 =	simm.s32 $0x15200;
	s6 =	sor.u32 s7, s6;
	[smem:$0x7FB] =	sst s24  }
0x11: {  	s26 =	sshrl.u32 s2, $0x1;
	[smem:$0x7FC] =	sst s25;
	s7 =	sshll.u32 s6, $0x5  }
0x12: {  	s6 =	sshrl.u32 s6, $0x3;
	s2 =	ssub.s32 s2, s26;
	s26 =	simm.s32 $0x15A00  }
0x13: {  	s11 =	simm.s32 $0x2A00;
	s4 =	sadd.s32 s4, s6;
	[smem:$0x7FD] =	sst s26  }
0x14: {  	s12 =	simm.s32 $0x3200;
	s6 =	simm.s32 $0xA200;
	[dreg:$0x4] =	wrdreg s4  }
0x15: {  	s5 =	sadd.s32 s7, s5;
	s7 =	simm.s32 $0xAA00;
	[dreg:$0x10] =	wrdreg s6  }
0x16: {  	s13 =	simm.s32 $0x3A00;
	s16 =	sadd.s32 $0xC00, s5;
	[dreg:$0x11] =	wrdreg s7  }
0x17: {  	s14 =	simm.s32 $0x4200;
	s17 =	sadd.s32 $0x1400, s5;
	[dreg:$0x5] =	wrdreg s16  }
0x18: {  	s15 =	simm.s32 $0x4A00;
	s18 =	sadd.s32 $0x1C00, s5;
	[dreg:$0x6] =	wrdreg s17  }
0x19: {  	s24 =	simm.s32 $0x10200;
	s19 =	sadd.s32 $0x2400, s5;
	[dreg:$0x7] =	wrdreg s18  }
0x1a: {  	s25 =	simm.s32 $0x14200;
	s20 =	sadd.s32 $0x2C00, s5;
	[dreg:$0x8] =	wrdreg s19  }
0x1b: {  	s21 =	sadd.s32 $0x3400, s5;
	s22 =	sadd.s32 $0x3C00, s5;
	[dreg:$0x9] =	wrdreg s20  }
0x1c: {  	s23 =	sadd.s32 $0x4400, s5;
	s4 =	smax.u32 s2, $0x1;
	[dreg:$0xa] =	wrdreg s21  }
0x1d: {  	s5 =	simm.s32 $0x3;
	s6 =	simm.s32 $0x200;
	[dreg:$0xb] =	wrdreg s22  }
0x1e: {  	s7 =	simm.s32 $0xA00;
	[dreg:$0xc] =	wrdreg s23;
	s16 =	simm.s32 $0xFA00  }
0x1f: {  	s2 =	simm.s32 $0x2;
	s17 =	simm.s32 $0x10A00;
	[dreg:$0x1a] =	wrdreg s16  }
0x20: {  	s18 =	simm.s32 $0x11200;
	s19 =	simm.s32 $0x11A00;
	[dreg:$0x1b] =	wrdreg s17  }
0x21: {  	s20 =	simm.s32 $0x12200;
	s21 =	simm.s32 $0x12A00;
	[dreg:$0x1c] =	wrdreg s18  }
0x22: {  	s22 =	simm.s32 $0x13200;
	s23 =	simm.s32 $0x13A00;
	[dreg:$0x1d] =	wrdreg s19  }
0x23: {  	s16 =	simm.s32 $0x5200;
	s17 =	simm.s32 $0x5A00;
	[dreg:$0x1e] =	wrdreg s20  }
0x24: {  	v2 =	vlaneseq.u32;
	s18 =	simm.s32 $0x6200;
	s19 =	simm.s32 $0x6A00;
	[dreg:$0x1f] =	wrdreg s21  }
0x25: {  	vm0 =	vmmov $0xffff;
	v1 =	vshrl.u32 v2, $0x3;
	s20 =	simm.s32 $0x7200;
	[smem:$0x7F9] =	sst s22;
	s21 =	simm.s32 $0x7A00  }
0x26: {  	v0 =	vand.u32 $0x7, v2;
	v2 =	vor.u32 $0x8, v2;
	v1 =	vmul.u32 $0x8, v1;
	[smem:$0x7FA] =	sst s23;
	s22 =	simm.s32 $0x8200;
	s23 =	simm.s32 $0xC200  }
.LBB2_1:
0x27: {  	s0 =	rddreg [dreg:$0x4]  }
0x28: {  	[tilespmem:s3], [sflag:$0x3] =	stream.linear.gather [hbm4b:s0+s3], $0x200, $0x38;
	[tilespmem:$0x18200] =	vst v63  }
0x29: {  	_ =	swait.ge [sflag:s5], $0x200  }
0x2a: {  	[sflag:s5] =	ssyncset.done $0x0  }
0x2b: {  	[sflag:s5] =	ssyncadd.s32 $0xFFFFFE00  }
0x2c: {  	v3 =	vld [tilespmem:$0x0];
	_ =	sdelay $0x4  }
0x2d: {  	v4 =	vshll.u32 v3, $0x1  }
0x2e: {  	v3 =	vand.u32 $0x7, v3;
	v4 =	vand.u32 $0xFFFFFFF0, v4  }
0x2f: {  	v3 =	vor.u32 v3, v4  }
0x30: {  	v4 =	vperm.xlane v3, v0;
	_ =	sdelay $0x1  }
0x31: {  	v3 =	vperm.xlane v3, v2;
	v4 =	vadd.s32 v1, v4;
	_ =	sdelay $0x1  }
0x32: {  	v3 =	vadd.s32 v1, v3;
	_ =	sdelay $0x2  }
0x33: {  	[tilespmem:s6], [sflag:$0x1] =	stream.indirect_vreg.gather [hbm4b:s1+s3], $0x80, v4, vm0, $0xb8;
	[tilespmem:$0x18200] =	vst v63  }
0x34: {  	_ = 	snop  }
0x35: {  	[tilespmem:s7], [sflag:$0x1] =	stream.indirect_vreg.gather [hbm4b:s1+s3], $0x80, v3, vm0, $0xb8;
	[tilespmem:$0x18200] =	vst v63  }
0x36: {  	v3 =	vld [tilespmem:$0x10];
	_ =	sdelay $0x4  }
0x37: {  	v33 =	vshll.u32 v3, $0x1  }
0x38: {  	v3 =	vand.u32 $0x7, v3;
	v4 =	vand.u32 $0xFFFFFFF0, v33  }
0x39: {  	v3 =	vor.u32 v3, v4  }
0x3a: {  	v4 =	vperm.xlane v3, v0;
	_ =	sdelay $0x1  }
0x3b: {  	v3 =	vperm.xlane v3, v2;
	v4 =	vadd.s32 v1, v4;
	_ =	sdelay $0x1  }
0x3c: {  	v3 =	vadd.s32 v1, v3;
	_ =	sdelay $0x2  }
0x3d: {  	[tilespmem:s8], [sflag:$0x1] =	stream.indirect_vreg.gather [hbm4b:s1+s3], $0x80, v4, vm0, $0xb8;
	[tilespmem:$0x18200] =	vst v63  }
0x3e: {  	_ = 	snop  }
0x3f: {  	[tilespmem:s9], [sflag:$0x1] =	stream.indirect_vreg.gather [hbm4b:s1+s3], $0x80, v3, vm0, $0xb8;
	[tilespmem:$0x18200] =	vst v63  }
0x40: {  	v3 =	vld [tilespmem:$0x20];
	_ =	sdelay $0x4  }
0x41: {  	v34 =	vshll.u32 v3, $0x1  }
0x42: {  	v3 =	vand.u32 $0x7, v3;
	v4 =	vand.u32 $0xFFFFFFF0, v34  }
0x43: {  	v3 =	vor.u32 v3, v4  }
0x44: {  	v4 =	vperm.xlane v3, v0;
	_ =	sdelay $0x1  }
0x45: {  	v3 =	vperm.xlane v3, v2;
	v4 =	vadd.s32 v1, v4;
	_ =	sdelay $0x1  }
0x46: {  	v3 =	vadd.s32 v1, v3;
	_ =	sdelay $0x2  }
0x47: {  	[tilespmem:s10], [sflag:$0x1] =	stream.indirect_vreg.gather [hbm4b:s1+s3], $0x80, v4, vm0, $0xb8;
	[tilespmem:$0x18200] =	vst v63  }
0x48: {  	_ = 	snop  }
0x49: {  	[tilespmem:s11], [sflag:$0x1] =	stream.indirect_vreg.gather [hbm4b:s1+s3], $0x80, v3, vm0, $0xb8;
	[tilespmem:$0x18200] =	vst v63  }
0x4a: {  	v3 =	vld [tilespmem:$0x30];
	_ =	sdelay $0x4  }
0x4b: {  	v35 =	vshll.u32 v3, $0x1  }
0x4c: {  	v3 =	vand.u32 $0x7, v3;
	v4 =	vand.u32 $0xFFFFFFF0, v35  }
0x4d: {  	v3 =	vor.u32 v3, v4  }
0x4e: {  	v4 =	vperm.xlane v3, v0;
	_ =	sdelay $0x1  }
0x4f: {  	v3 =	vperm.xlane v3, v2;
	v4 =	vadd.s32 v1, v4;
	_ =	sdelay $0x1  }
0x50: {  	v3 =	vadd.s32 v1, v3;
	_ =	sdelay $0x2  }
0x51: {  	[tilespmem:s12], [sflag:$0x1] =	stream.indirect_vreg.gather [hbm4b:s1+s3], $0x80, v4, vm0, $0xb8;
	[tilespmem:$0x18200] =	vst v63  }
0x52: {  	_ = 	snop  }
0x53: {  	[tilespmem:s13], [sflag:$0x1] =	stream.indirect_vreg.gather [hbm4b:s1+s3], $0x80, v3, vm0, $0xb8;
	[tilespmem:$0x18200] =	vst v63  }
0x54: {  	v3 =	vld [tilespmem:$0x40];
	_ =	sdelay $0x4  }
0x55: {  	v36 =	vshll.u32 v3, $0x1  }
0x56: {  	v3 =	vand.u32 $0x7, v3;
	v4 =	vand.u32 $0xFFFFFFF0, v36  }
0x57: {  	v3 =	vor.u32 v3, v4  }
0x58: {  	v4 =	vperm.xlane v3, v0;
	_ =	sdelay $0x1  }
0x59: {  	v3 =	vperm.xlane v3, v2;
	v4 =	vadd.s32 v1, v4;
	_ =	sdelay $0x1  }
0x5a: {  	v3 =	vadd.s32 v1, v3;
	_ =	sdelay $0x2  }
0x5b: {  	[tilespmem:s14], [sflag:$0x1] =	stream.indirect_vreg.gather [hbm4b:s1+s3], $0x80, v4, vm0, $0xb8;
	[tilespmem:$0x18200] =	vst v63  }
0x5c: {  	_ = 	snop  }
0x5d: {  	[tilespmem:s15], [sflag:$0x1] =	stream.indirect_vreg.gather [hbm4b:s1+s3], $0x80, v3, vm0, $0xb8;
	[tilespmem:$0x18200] =	vst v63  }
0x5e: {  	v3 =	vld [tilespmem:$0x50];
	_ =	sdelay $0x4  }
0x5f: {  	v37 =	vshll.u32 v3, $0x1  }
0x60: {  	v3 =	vand.u32 $0x7, v3;
	v4 =	vand.u32 $0xFFFFFFF0, v37  }
0x61: {  	v3 =	vor.u32 v3, v4  }
0x62: {  	v4 =	vperm.xlane v3, v0;
	_ =	sdelay $0x1  }
0x63: {  	v3 =	vperm.xlane v3, v2;
	v4 =	vadd.s32 v1, v4;
	_ =	sdelay $0x1  }
0x64: {  	v3 =	vadd.s32 v1, v3;
	_ =	sdelay $0x2  }
0x65: {  	[tilespmem:s16], [sflag:$0x1] =	stream.indirect_vreg.gather [hbm4b:s1+s3], $0x80, v4, vm0, $0xb8;
	[tilespmem:$0x18200] =	vst v63  }
0x66: {  	_ = 	snop  }
0x67: {  	[tilespmem:s17], [sflag:$0x1] =	stream.indirect_vreg.gather [hbm4b:s1+s3], $0x80, v3, vm0, $0xb8;
	[tilespmem:$0x18200] =	vst v63  }
0x68: {  	v3 =	vld [tilespmem:$0x60];
	_ =	sdelay $0x4  }
0x69: {  	v38 =	vshll.u32 v3, $0x1  }
0x6a: {  	v3 =	vand.u32 $0x7, v3;
	v4 =	vand.u32 $0xFFFFFFF0, v38  }
0x6b: {  	v3 =	vor.u32 v3, v4  }
0x6c: {  	v4 =	vperm.xlane v3, v0;
	_ =	sdelay $0x1  }
0x6d: {  	v3 =	vperm.xlane v3, v2;
	v4 =	vadd.s32 v1, v4;
	_ =	sdelay $0x1  }
0x6e: {  	v3 =	vadd.s32 v1, v3;
	_ =	sdelay $0x2  }
0x6f: {  	[tilespmem:s18], [sflag:$0x1] =	stream.indirect_vreg.gather [hbm4b:s1+s3], $0x80, v4, vm0, $0xb8;
	[tilespmem:$0x18200] =	vst v63  }
0x70: {  	_ = 	snop  }
0x71: {  	[tilespmem:s19], [sflag:$0x1] =	stream.indirect_vreg.gather [hbm4b:s1+s3], $0x80, v3, vm0, $0xb8;
	[tilespmem:$0x18200] =	vst v63  }
0x72: {  	v3 =	vld [tilespmem:$0x70];
	_ =	sdelay $0x4  }
0x73: {  	v39 =	vshll.u32 v3, $0x1  }
0x74: {  	v3 =	vand.u32 $0x7, v3;
	v4 =	vand.u32 $0xFFFFFFF0, v39  }
0x75: {  	v3 =	vor.u32 v3, v4  }
0x76: {  	v4 =	vperm.xlane v3, v0;
	_ =	sdelay $0x1  }
0x77: {  	v3 =	vperm.xlane v3, v2;
	v4 =	vadd.s32 v1, v4;
	_ =	sdelay $0x1  }
0x78: {  	v3 =	vadd.s32 v1, v3;
	_ =	sdelay $0x2  }
0x79: {  	[tilespmem:s20], [sflag:$0x1] =	stream.indirect_vreg.gather [hbm4b:s1+s3], $0x80, v4, vm0, $0xb8;
	[tilespmem:$0x18200] =	vst v63  }
0x7a: {  	_ = 	snop  }
0x7b: {  	[tilespmem:s21], [sflag:$0x1] =	stream.indirect_vreg.gather [hbm4b:s1+s3], $0x80, v3, vm0, $0xb8;
	[tilespmem:$0x18200] =	vst v63  }
0x7c: {  	v3 =	vld [tilespmem:$0x80];
	_ =	sdelay $0x4  }
0x7d: {  	v40 =	vshll.u32 v3, $0x1  }
0x7e: {  	v3 =	vand.u32 $0x7, v3;
	v4 =	vand.u32 $0xFFFFFFF0, v40  }
0x7f: {  	v3 =	vor.u32 v3, v4  }
0x80: {  	v4 =	vperm.xlane v3, v0;
	_ =	sdelay $0x1  }
0x81: {  	v3 =	vperm.xlane v3, v2;
	v4 =	vadd.s32 v1, v4;
	_ =	sdelay $0x1  }
0x82: {  	v3 =	vadd.s32 v1, v3;
	_ =	sdelay $0x2  }
0x83: {  	[tilespmem:s22], [sflag:$0x1] =	stream.indirect_vreg.gather [hbm4b:s1+s3], $0x80, v4, vm0, $0xb8;
	[tilespmem:$0x18200] =	vst v63  }
0x84: {  	s26 =	rddreg [dreg:$0xd]  }
0x85: {  	[tilespmem:s26], [sflag:$0x1] =	stream.indirect_vreg.gather [hbm4b:s1+s3], $0x80, v3, vm0, $0xb8;
	[tilespmem:$0x18200] =	vst v63  }
0x86: {  	v3 =	vld [tilespmem:$0x90];
	_ =	sdelay $0x4  }
0x87: {  	v41 =	vshll.u32 v3, $0x1  }
0x88: {  	v3 =	vand.u32 $0x7, v3;
	v4 =	vand.u32 $0xFFFFFFF0, v41  }
0x89: {  	v3 =	vor.u32 v3, v4  }
0x8a: {  	v4 =	vperm.xlane v3, v0;
	_ =	sdelay $0x1  }
0x8b: {  	v3 =	vperm.xlane v3, v2;
	v4 =	vadd.s32 v1, v4;
	_ =	sdelay $0x1  }
0x8c: {  	v3 =	vadd.s32 v1, v3;
	_ =	sdelay $0x1  }
0x8d: {  	s0 =	rddreg [dreg:$0xe]  }
0x8e: {  	[tilespmem:s0], [sflag:$0x1] =	stream.indirect_vreg.gather [hbm4b:s1+s3], $0x80, v4, vm0, $0xb8;
	[tilespmem:$0x18200] =	vst v63  }
0x8f: {  	s26 =	rddreg [dreg:$0xf]  }
0x90: {  	[tilespmem:s26], [sflag:$0x1] =	stream.indirect_vreg.gather [hbm4b:s1+s3], $0x80, v3, vm0, $0xb8;
	[tilespmem:$0x18200] =	vst v63  }
0x91: {  	v3 =	vld [tilespmem:$0xA0];
	_ =	sdelay $0x4  }
0x92: {  	v42 =	vshll.u32 v3, $0x1  }
0x93: {  	v3 =	vand.u32 $0x7, v3;
	v4 =	vand.u32 $0xFFFFFFF0, v42  }
0x94: {  	v3 =	vor.u32 v3, v4  }
0x95: {  	v4 =	vperm.xlane v3, v0;
	_ =	sdelay $0x1  }
0x96: {  	v3 =	vperm.xlane v3, v2;
	v4 =	vadd.s32 v1, v4;
	_ =	sdelay $0x1  }
0x97: {  	v3 =	vadd.s32 v1, v3;
	_ =	sdelay $0x1  }
0x98: {  	s0 =	rddreg [dreg:$0x10]  }
0x99: {  	[tilespmem:s0], [sflag:$0x1] =	stream.indirect_vreg.gather [hbm4b:s1+s3], $0x80, v4, vm0, $0xb8;
	[tilespmem:$0x18200] =	vst v63  }
0x9a: {  	s26 =	rddreg [dreg:$0x11]  }
0x9b: {  	[tilespmem:s26], [sflag:$0x1] =	stream.indirect_vreg.gather [hbm4b:s1+s3], $0x80, v3, vm0, $0xb8;
	[tilespmem:$0x18200] =	vst v63  }
0x9c: {  	v3 =	vld [tilespmem:$0xB0];
	_ =	sdelay $0x4  }
0x9d: {  	v43 =	vshll.u32 v3, $0x1  }
0x9e: {  	v3 =	vand.u32 $0x7, v3;
	v4 =	vand.u32 $0xFFFFFFF0, v43  }
0x9f: {  	v3 =	vor.u32 v3, v4  }
0xa0: {  	v4 =	vperm.xlane v3, v0;
	_ =	sdelay $0x1  }
0xa1: {  	v3 =	vperm.xlane v3, v2;
	v4 =	vadd.s32 v1, v4;
	_ =	sdelay $0x1  }
0xa2: {  	v3 =	vadd.s32 v1, v3;
	_ =	sdelay $0x1  }
0xa3: {  	s0 =	rddreg [dreg:$0x12]  }
0xa4: {  	[tilespmem:s0], [sflag:$0x1] =	stream.indirect_vreg.gather [hbm4b:s1+s3], $0x80, v4, vm0, $0xb8;
	[tilespmem:$0x18200] =	vst v63  }
0xa5: {  	s26 =	rddreg [dreg:$0x13]  }
0xa6: {  	[tilespmem:s26], [sflag:$0x1] =	stream.indirect_vreg.gather [hbm4b:s1+s3], $0x80, v3, vm0, $0xb8;
	[tilespmem:$0x18200] =	vst v63  }
0xa7: {  	v3 =	vld [tilespmem:$0xC0];
	_ =	sdelay $0x4  }
0xa8: {  	v44 =	vshll.u32 v3, $0x1  }
0xa9: {  	v3 =	vand.u32 $0x7, v3;
	v4 =	vand.u32 $0xFFFFFFF0, v44  }
0xaa: {  	v3 =	vor.u32 v3, v4  }
0xab: {  	v4 =	vperm.xlane v3, v0;
	_ =	sdelay $0x1  }
0xac: {  	v3 =	vperm.xlane v3, v2;
	v4 =	vadd.s32 v1, v4;
	_ =	sdelay $0x1  }
0xad: {  	v3 =	vadd.s32 v1, v3;
	_ =	sdelay $0x2  }
0xae: {  	[tilespmem:s23], [sflag:$0x1] =	stream.indirect_vreg.gather [hbm4b:s1+s3], $0x80, v4, vm0, $0xb8;
	[tilespmem:$0x18200] =	vst v63  }
0xaf: {  	s26 =	rddreg [dreg:$0x14]  }
0xb0: {  	[tilespmem:s26], [sflag:$0x1] =	stream.indirect_vreg.gather [hbm4b:s1+s3], $0x80, v3, vm0, $0xb8;
	[tilespmem:$0x18200] =	vst v63  }
0xb1: {  	v3 =	vld [tilespmem:$0xD0];
	_ =	sdelay $0x4  }
0xb2: {  	v45 =	vshll.u32 v3, $0x1  }
0xb3: {  	v3 =	vand.u32 $0x7, v3;
	v4 =	vand.u32 $0xFFFFFFF0, v45  }
0xb4: {  	v3 =	vor.u32 v3, v4  }
0xb5: {  	v4 =	vperm.xlane v3, v0;
	_ =	sdelay $0x1  }
0xb6: {  	v3 =	vperm.xlane v3, v2;
	v4 =	vadd.s32 v1, v4;
	_ =	sdelay $0x1  }
0xb7: {  	v3 =	vadd.s32 v1, v3;
	_ =	sdelay $0x1  }
0xb8: {  	s0 =	rddreg [dreg:$0x15]  }
0xb9: {  	[tilespmem:s0], [sflag:$0x1] =	stream.indirect_vreg.gather [hbm4b:s1+s3], $0x80, v4, vm0, $0xb8;
	[tilespmem:$0x18200] =	vst v63  }
0xba: {  	s26 =	rddreg [dreg:$0x16]  }
0xbb: {  	[tilespmem:s26], [sflag:$0x1] =	stream.indirect_vreg.gather [hbm4b:s1+s3], $0x80, v3, vm0, $0xb8;
	[tilespmem:$0x18200] =	vst v63  }
0xbc: {  	v3 =	vld [tilespmem:$0xE0];
	_ =	sdelay $0x4  }
0xbd: {  	v46 =	vshll.u32 v3, $0x1  }
0xbe: {  	v3 =	vand.u32 $0x7, v3;
	v4 =	vand.u32 $0xFFFFFFF0, v46  }
0xbf: {  	v3 =	vor.u32 v3, v4  }
0xc0: {  	v4 =	vperm.xlane v3, v0;
	_ =	sdelay $0x1  }
0xc1: {  	v3 =	vperm.xlane v3, v2;
	v4 =	vadd.s32 v1, v4;
	_ =	sdelay $0x1  }
0xc2: {  	v3 =	vadd.s32 v1, v3;
	_ =	sdelay $0x1  }
0xc3: {  	s0 =	rddreg [dreg:$0x17]  }
0xc4: {  	[tilespmem:s0], [sflag:$0x1] =	stream.indirect_vreg.gather [hbm4b:s1+s3], $0x80, v4, vm0, $0xb8;
	[tilespmem:$0x18200] =	vst v63  }
0xc5: {  	s26 =	rddreg [dreg:$0x18]  }
0xc6: {  	[tilespmem:s26], [sflag:$0x1] =	stream.indirect_vreg.gather [hbm4b:s1+s3], $0x80, v3, vm0, $0xb8;
	[tilespmem:$0x18200] =	vst v63  }
0xc7: {  	v3 =	vld [tilespmem:$0xF0];
	_ =	sdelay $0x4  }
0xc8: {  	v47 =	vshll.u32 v3, $0x1  }
0xc9: {  	v3 =	vand.u32 $0x7, v3;
	v4 =	vand.u32 $0xFFFFFFF0, v47  }
0xca: {  	v3 =	vor.u32 v3, v4  }
0xcb: {  	v4 =	vperm.xlane v3, v0;
	_ =	sdelay $0x1  }
0xcc: {  	v3 =	vperm.xlane v3, v2;
	v4 =	vadd.s32 v1, v4;
	_ =	sdelay $0x1  }
0xcd: {  	v3 =	vadd.s32 v1, v3;
	_ =	sdelay $0x1  }
0xce: {  	s0 =	rddreg [dreg:$0x19]  }
0xcf: {  	[tilespmem:s0], [sflag:$0x1] =	stream.indirect_vreg.gather [hbm4b:s1+s3], $0x80, v4, vm0, $0xb8;
	[tilespmem:$0x18200] =	vst v63  }
0xd0: {  	s26 =	rddreg [dreg:$0x1a]  }
0xd1: {  	[tilespmem:s26], [sflag:$0x1] =	stream.indirect_vreg.gather [hbm4b:s1+s3], $0x80, v3, vm0, $0xb8;
	[tilespmem:$0x18200] =	vst v63  }
0xd2: {  	v3 =	vld [tilespmem:$0x100];
	_ =	sdelay $0x4  }
0xd3: {  	v48 =	vshll.u32 v3, $0x1  }
0xd4: {  	v3 =	vand.u32 $0x7, v3;
	v4 =	vand.u32 $0xFFFFFFF0, v48  }
0xd5: {  	v3 =	vor.u32 v3, v4  }
0xd6: {  	v4 =	vperm.xlane v3, v0;
	_ =	sdelay $0x1  }
0xd7: {  	v3 =	vperm.xlane v3, v2;
	v4 =	vadd.s32 v1, v4;
	_ =	sdelay $0x1  }
0xd8: {  	v3 =	vadd.s32 v1, v3;
	_ =	sdelay $0x2  }
0xd9: {  	[tilespmem:s24], [sflag:$0x1] =	stream.indirect_vreg.gather [hbm4b:s1+s3], $0x80, v4, vm0, $0xb8;
	[tilespmem:$0x18200] =	vst v63  }
0xda: {  	s26 =	rddreg [dreg:$0x1b]  }
0xdb: {  	[tilespmem:s26], [sflag:$0x1] =	stream.indirect_vreg.gather [hbm4b:s1+s3], $0x80, v3, vm0, $0xb8;
	[tilespmem:$0x18200] =	vst v63  }
0xdc: {  	v3 =	vld [tilespmem:$0x110];
	_ =	sdelay $0x4  }
0xdd: {  	v49 =	vshll.u32 v3, $0x1  }
0xde: {  	v3 =	vand.u32 $0x7, v3;
	v4 =	vand.u32 $0xFFFFFFF0, v49  }
0xdf: {  	v3 =	vor.u32 v3, v4  }
0xe0: {  	v4 =	vperm.xlane v3, v0;
	_ =	sdelay $0x1  }
0xe1: {  	v3 =	vperm.xlane v3, v2;
	v4 =	vadd.s32 v1, v4;
	_ =	sdelay $0x1  }
0xe2: {  	v3 =	vadd.s32 v1, v3;
	_ =	sdelay $0x1  }
0xe3: {  	s0 =	rddreg [dreg:$0x1c]  }
0xe4: {  	[tilespmem:s0], [sflag:$0x1] =	stream.indirect_vreg.gather [hbm4b:s1+s3], $0x80, v4, vm0, $0xb8;
	[tilespmem:$0x18200] =	vst v63  }
0xe5: {  	s26 =	rddreg [dreg:$0x1d]  }
0xe6: {  	[tilespmem:s26], [sflag:$0x1] =	stream.indirect_vreg.gather [hbm4b:s1+s3], $0x80, v3, vm0, $0xb8;
	[tilespmem:$0x18200] =	vst v63  }
0xe7: {  	v3 =	vld [tilespmem:$0x120];
	_ =	sdelay $0x4  }
0xe8: {  	v50 =	vshll.u32 v3, $0x1  }
0xe9: {  	v3 =	vand.u32 $0x7, v3;
	v4 =	vand.u32 $0xFFFFFFF0, v50  }
0xea: {  	v3 =	vor.u32 v3, v4  }
0xeb: {  	v4 =	vperm.xlane v3, v0;
	_ =	sdelay $0x1  }
0xec: {  	v3 =	vperm.xlane v3, v2;
	v4 =	vadd.s32 v1, v4;
	_ =	sdelay $0x1  }
0xed: {  	v3 =	vadd.s32 v1, v3;
	_ =	sdelay $0x1  }
0xee: {  	s0 =	rddreg [dreg:$0x1e]  }
0xef: {  	[tilespmem:s0], [sflag:$0x1] =	stream.indirect_vreg.gather [hbm4b:s1+s3], $0x80, v4, vm0, $0xb8;
	[tilespmem:$0x18200] =	vst v63  }
0xf0: {  	s26 =	rddreg [dreg:$0x1f]  }
0xf1: {  	[tilespmem:s26], [sflag:$0x1] =	stream.indirect_vreg.gather [hbm4b:s1+s3], $0x80, v3, vm0, $0xb8;
	[tilespmem:$0x18200] =	vst v63  }
0xf2: {  	v3 =	vld [tilespmem:$0x130];
	_ =	sdelay $0x4  }
0xf3: {  	v51 =	vshll.u32 v3, $0x1  }
0xf4: {  	v3 =	vand.u32 $0x7, v3;
	v4 =	vand.u32 $0xFFFFFFF0, v51  }
0xf5: {  	v3 =	vor.u32 v3, v4  }
0xf6: {  	v4 =	vperm.xlane v3, v0;
	_ =	sdelay $0x1  }
0xf7: {  	v3 =	vperm.xlane v3, v2;
	v4 =	vadd.s32 v1, v4;
	_ =	sdelay $0x1  }
0xf8: {  	s0 =	sld [smem:$0x7F9];
	v3 =	vadd.s32 v1, v3;
	_ =	sdelay $0x1  }
0xf9: {  	s26 =	sld [smem:$0x7FA]  }
0xfa: {  	[tilespmem:s0], [sflag:$0x1] =	stream.indirect_vreg.gather [hbm4b:s1+s3], $0x80, v4, vm0, $0xb8;
	[tilespmem:$0x18200] =	vst v63  }
0xfb: {  	_ = 	snop  }
0xfc: {  	[tilespmem:s26], [sflag:$0x1] =	stream.indirect_vreg.gather [hbm4b:s1+s3], $0x80, v3, vm0, $0xb8;
	[tilespmem:$0x18200] =	vst v63  }
0xfd: {  	v3 =	vld [tilespmem:$0x140];
	_ =	sdelay $0x4  }
0xfe: {  	v52 =	vshll.u32 v3, $0x1  }
0xff: {  	v3 =	vand.u32 $0x7, v3;
	v4 =	vand.u32 $0xFFFFFFF0, v52  }
0x100: {  	v3 =	vor.u32 v3, v4  }
0x101: {  	v4 =	vperm.xlane v3, v0;
	_ =	sdelay $0x1  }
0x102: {  	v3 =	vperm.xlane v3, v2;
	v4 =	vadd.s32 v1, v4;
	_ =	sdelay $0x1  }
0x103: {  	v3 =	vadd.s32 v1, v3;
	_ =	sdelay $0x1  }
0x104: {  	s26 =	sld [smem:$0x7FB]  }
0x105: {  	[tilespmem:s25], [sflag:$0x1] =	stream.indirect_vreg.gather [hbm4b:s1+s3], $0x80, v4, vm0, $0xb8;
	[tilespmem:$0x18200] =	vst v63  }
0x106: {  	_ = 	snop  }
0x107: {  	[tilespmem:s26], [sflag:$0x1] =	stream.indirect_vreg.gather [hbm4b:s1+s3], $0x80, v3, vm0, $0xb8;
	[tilespmem:$0x18200] =	vst v63  }
0x108: {  	v3 =	vld [tilespmem:$0x150];
	_ =	sdelay $0x4  }
0x109: {  	v53 =	vshll.u32 v3, $0x1  }
0x10a: {  	v3 =	vand.u32 $0x7, v3;
	v4 =	vand.u32 $0xFFFFFFF0, v53  }
0x10b: {  	v3 =	vor.u32 v3, v4  }
0x10c: {  	v4 =	vperm.xlane v3, v0;
	_ =	sdelay $0x1  }
0x10d: {  	v3 =	vperm.xlane v3, v2;
	v4 =	vadd.s32 v1, v4;
	_ =	sdelay $0x1  }
0x10e: {  	s0 =	sld [smem:$0x7FC];
	v3 =	vadd.s32 v1, v3;
	_ =	sdelay $0x1  }
0x10f: {  	s26 =	sld [smem:$0x7FD]  }
0x110: {  	[tilespmem:s0], [sflag:$0x1] =	stream.indirect_vreg.gather [hbm4b:s1+s3], $0x80, v4, vm0, $0xb8;
	[tilespmem:$0x18200] =	vst v63  }
0x111: {  	_ = 	snop  }
0x112: {  	[tilespmem:s26], [sflag:$0x1] =	stream.indirect_vreg.gather [hbm4b:s1+s3], $0x80, v3, vm0, $0xb8;
	[tilespmem:$0x18200] =	vst v63  }
0x113: {  	v3 =	vld [tilespmem:$0x160];
	_ =	sdelay $0x4  }
0x114: {  	v54 =	vshll.u32 v3, $0x1  }
0x115: {  	v3 =	vand.u32 $0x7, v3;
	v4 =	vand.u32 $0xFFFFFFF0, v54  }
0x116: {  	v3 =	vor.u32 v3, v4  }
0x117: {  	v4 =	vperm.xlane v3, v0;
	_ =	sdelay $0x1  }
0x118: {  	v3 =	vperm.xlane v3, v2;
	v4 =	vadd.s32 v1, v4;
	_ =	sdelay $0x1  }
0x119: {  	v3 =	vadd.s32 v1, v3;
	_ =	sdelay $0x1  }
0x11a: {  	s26 =	simm.s32 $0x16200  }
0x11b: {  	[tilespmem:s26], [sflag:$0x1] =	stream.indirect_vreg.gather [hbm4b:s1+s3], $0x80, v4, vm0, $0xb8;
	[tilespmem:$0x18200] =	vst v63  }
0x11c: {  	_ = 	snop  }
0x11d: {  	[tilespmem:s28], [sflag:$0x1] =	stream.indirect_vreg.gather [hbm4b:s1+s3], $0x80, v3, vm0, $0xb8;
	[tilespmem:$0x18200] =	vst v63  }
0x11e: {  	v3 =	vld [tilespmem:$0x170];
	_ =	sdelay $0x4  }
0x11f: {  	v55 =	vshll.u32 v3, $0x1  }
0x120: {  	v3 =	vand.u32 $0x7, v3;
	v4 =	vand.u32 $0xFFFFFFF0, v55  }
0x121: {  	v3 =	vor.u32 v3, v4  }
0x122: {  	v4 =	vperm.xlane v3, v0;
	_ =	sdelay $0x1  }
0x123: {  	v3 =	vperm.xlane v3, v2;
	v4 =	vadd.s32 v1, v4;
	_ =	sdelay $0x1  }
0x124: {  	v3 =	vadd.s32 v1, v3;
	_ =	sdelay $0x2  }
0x125: {  	[tilespmem:s29], [sflag:$0x1] =	stream.indirect_vreg.gather [hbm4b:s1+s3], $0x80, v4, vm0, $0xb8;
	[tilespmem:$0x18200] =	vst v63  }
0x126: {  	_ = 	snop  }
0x127: {  	[tilespmem:s30], [sflag:$0x1] =	stream.indirect_vreg.gather [hbm4b:s1+s3], $0x80, v3, vm0, $0xb8;
	[tilespmem:$0x18200] =	vst v63  }
0x128: {  	_ =	swait.ge [sflag:s31], $0x4000  }
0x129: {  	[sflag:s31] =	ssyncset.done $0x0  }
0x12a: {  	s26 =	rddreg [dreg:$0x5];
	[sflag:s31] =	ssyncadd.s32 $0xFFFFC000  }
0x12b: {  	[hbm4b:s26+s3] =	stream.linear.scatter [tilespmem:s6], [sflag:$0x2], $0x4000, $0x38;
	[tilespmem:$0x18200] =	vst v63  }
0x12c: {  	_ =	swait.ge [sflag:s2], $0x4000  }
0x12d: {  	[sflag:s2] =	ssyncset.done $0x0  }
0x12e: {  	[sflag:s2] =	ssyncadd.s32 $0xFFFFC000  }
0x12f: {  	v3 =	vld [tilespmem:$0x180];
	_ =	sdelay $0x4  }
0x130: {  	v56 =	vshll.u32 v3, $0x1  }
0x131: {  	v3 =	vand.u32 $0x7, v3;
	v4 =	vand.u32 $0xFFFFFFF0, v56  }
0x132: {  	v3 =	vor.u32 v3, v4  }
0x133: {  	v4 =	vperm.xlane v3, v0;
	_ =	sdelay $0x1  }
0x134: {  	v3 =	vperm.xlane v3, v2;
	v4 =	vadd.s32 v1, v4;
	_ =	sdelay $0x1  }
0x135: {  	v3 =	vadd.s32 v1, v3;
	_ =	sdelay $0x2  }
0x136: {  	[tilespmem:s6], [sflag:$0x1] =	stream.indirect_vreg.gather [hbm4b:s1+s3], $0x80, v4, vm0, $0xb8;
	[tilespmem:$0x18200] =	vst v63  }
0x137: {  	_ = 	snop  }
0x138: {  	[tilespmem:s7], [sflag:$0x1] =	stream.indirect_vreg.gather [hbm4b:s1+s3], $0x80, v3, vm0, $0xb8;
	[tilespmem:$0x18200] =	vst v63  }
0x139: {  	v3 =	vld [tilespmem:$0x190];
	_ =	sdelay $0x4  }
0x13a: {  	v57 =	vshll.u32 v3, $0x1  }
0x13b: {  	v3 =	vand.u32 $0x7, v3;
	v4 =	vand.u32 $0xFFFFFFF0, v57  }
0x13c: {  	v3 =	vor.u32 v3, v4  }
0x13d: {  	v4 =	vperm.xlane v3, v0;
	_ =	sdelay $0x1  }
0x13e: {  	v3 =	vperm.xlane v3, v2;
	v4 =	vadd.s32 v1, v4;
	_ =	sdelay $0x1  }
0x13f: {  	v3 =	vadd.s32 v1, v3;
	_ =	sdelay $0x2  }
0x140: {  	[tilespmem:s8], [sflag:$0x1] =	stream.indirect_vreg.gather [hbm4b:s1+s3], $0x80, v4, vm0, $0xb8;
	[tilespmem:$0x18200] =	vst v63  }
0x141: {  	_ = 	snop  }
0x142: {  	[tilespmem:s9], [sflag:$0x1] =	stream.indirect_vreg.gather [hbm4b:s1+s3], $0x80, v3, vm0, $0xb8;
	[tilespmem:$0x18200] =	vst v63  }
0x143: {  	v3 =	vld [tilespmem:$0x1A0];
	_ =	sdelay $0x4  }
0x144: {  	v58 =	vshll.u32 v3, $0x1  }
0x145: {  	v3 =	vand.u32 $0x7, v3;
	v4 =	vand.u32 $0xFFFFFFF0, v58  }
0x146: {  	v3 =	vor.u32 v3, v4  }
0x147: {  	v4 =	vperm.xlane v3, v0;
	_ =	sdelay $0x1  }
0x148: {  	v3 =	vperm.xlane v3, v2;
	v4 =	vadd.s32 v1, v4;
	_ =	sdelay $0x1  }
0x149: {  	v3 =	vadd.s32 v1, v3;
	_ =	sdelay $0x2  }
0x14a: {  	[tilespmem:s10], [sflag:$0x1] =	stream.indirect_vreg.gather [hbm4b:s1+s3], $0x80, v4, vm0, $0xb8;
	[tilespmem:$0x18200] =	vst v63  }
0x14b: {  	_ = 	snop  }
0x14c: {  	[tilespmem:s11], [sflag:$0x1] =	stream.indirect_vreg.gather [hbm4b:s1+s3], $0x80, v3, vm0, $0xb8;
	[tilespmem:$0x18200] =	vst v63  }
0x14d: {  	v3 =	vld [tilespmem:$0x1B0];
	_ =	sdelay $0x4  }
0x14e: {  	v59 =	vshll.u32 v3, $0x1  }
0x14f: {  	v3 =	vand.u32 $0x7, v3;
	v4 =	vand.u32 $0xFFFFFFF0, v59  }
0x150: {  	v3 =	vor.u32 v3, v4  }
0x151: {  	v4 =	vperm.xlane v3, v0;
	_ =	sdelay $0x1  }
0x152: {  	v3 =	vperm.xlane v3, v2;
	v4 =	vadd.s32 v1, v4;
	_ =	sdelay $0x1  }
0x153: {  	v3 =	vadd.s32 v1, v3;
	_ =	sdelay $0x2  }
0x154: {  	[tilespmem:s12], [sflag:$0x1] =	stream.indirect_vreg.gather [hbm4b:s1+s3], $0x80, v4, vm0, $0xb8;
	[tilespmem:$0x18200] =	vst v63  }
0x155: {  	_ = 	snop  }
0x156: {  	[tilespmem:s13], [sflag:$0x1] =	stream.indirect_vreg.gather [hbm4b:s1+s3], $0x80, v3, vm0, $0xb8;
	[tilespmem:$0x18200] =	vst v63  }
0x157: {  	_ =	swait.ge [sflag:s31], $0x4000  }
0x158: {  	[sflag:s31] =	ssyncset.done $0x0  }
0x159: {  	s26 =	rddreg [dreg:$0x6];
	[sflag:s31] =	ssyncadd.s32 $0xFFFFC000  }
0x15a: {  	[hbm4b:s26+s3] =	stream.linear.scatter [tilespmem:s14], [sflag:$0x2], $0x4000, $0x38;
	[tilespmem:$0x18200] =	vst v63  }
0x15b: {  	_ =	swait.ge [sflag:s2], $0x4000  }
0x15c: {  	[sflag:s2] =	ssyncset.done $0x0  }
0x15d: {  	[sflag:s2] =	ssyncadd.s32 $0xFFFFC000  }
0x15e: {  	v3 =	vld [tilespmem:$0x1C0];
	_ =	sdelay $0x4  }
0x15f: {  	v60 =	vshll.u32 v3, $0x1  }
0x160: {  	v3 =	vand.u32 $0x7, v3;
	v4 =	vand.u32 $0xFFFFFFF0, v60  }
0x161: {  	v3 =	vor.u32 v3, v4  }
0x162: {  	v4 =	vperm.xlane v3, v0;
	_ =	sdelay $0x1  }
0x163: {  	v3 =	vperm.xlane v3, v2;
	v4 =	vadd.s32 v1, v4;
	_ =	sdelay $0x1  }
0x164: {  	v3 =	vadd.s32 v1, v3;
	_ =	sdelay $0x2  }
0x165: {  	[tilespmem:s14], [sflag:$0x1] =	stream.indirect_vreg.gather [hbm4b:s1+s3], $0x80, v4, vm0, $0xb8;
	[tilespmem:$0x18200] =	vst v63  }
0x166: {  	_ = 	snop  }
0x167: {  	[tilespmem:s15], [sflag:$0x1] =	stream.indirect_vreg.gather [hbm4b:s1+s3], $0x80, v3, vm0, $0xb8;
	[tilespmem:$0x18200] =	vst v63  }
0x168: {  	v3 =	vld [tilespmem:$0x1D0];
	_ =	sdelay $0x4  }
0x169: {  	v61 =	vshll.u32 v3, $0x1  }
0x16a: {  	v3 =	vand.u32 $0x7, v3;
	v4 =	vand.u32 $0xFFFFFFF0, v61  }
0x16b: {  	v3 =	vor.u32 v3, v4  }
0x16c: {  	v4 =	vperm.xlane v3, v0;
	_ =	sdelay $0x1  }
0x16d: {  	v3 =	vperm.xlane v3, v2;
	v4 =	vadd.s32 v1, v4;
	_ =	sdelay $0x1  }
0x16e: {  	v3 =	vadd.s32 v1, v3;
	_ =	sdelay $0x2  }
0x16f: {  	[tilespmem:s16], [sflag:$0x1] =	stream.indirect_vreg.gather [hbm4b:s1+s3], $0x80, v4, vm0, $0xb8;
	[tilespmem:$0x18200] =	vst v63  }
0x170: {  	_ = 	snop  }
0x171: {  	[tilespmem:s17], [sflag:$0x1] =	stream.indirect_vreg.gather [hbm4b:s1+s3], $0x80, v3, vm0, $0xb8;
	[tilespmem:$0x18200] =	vst v63  }
0x172: {  	v3 =	vld [tilespmem:$0x1E0];
	_ =	sdelay $0x4  }
0x173: {  	v62 =	vshll.u32 v3, $0x1  }
0x174: {  	v3 =	vand.u32 $0x7, v3;
	v4 =	vand.u32 $0xFFFFFFF0, v62  }
0x175: {  	v3 =	vor.u32 v3, v4  }
0x176: {  	v4 =	vperm.xlane v3, v0;
	_ =	sdelay $0x1  }
0x177: {  	v3 =	vperm.xlane v3, v2;
	v4 =	vadd.s32 v1, v4;
	_ =	sdelay $0x1  }
0x178: {  	v3 =	vadd.s32 v1, v3;
	_ =	sdelay $0x2  }
0x179: {  	[tilespmem:s18], [sflag:$0x1] =	stream.indirect_vreg.gather [hbm4b:s1+s3], $0x80, v4, vm0, $0xb8;
	[tilespmem:$0x18200] =	vst v63  }
0x17a: {  	_ = 	snop  }
0x17b: {  	[tilespmem:s19], [sflag:$0x1] =	stream.indirect_vreg.gather [hbm4b:s1+s3], $0x80, v3, vm0, $0xb8;
	[tilespmem:$0x18200] =	vst v63  }
0x17c: {  	v3 =	vld [tilespmem:$0x1F0];
	_ =	sdelay $0x4  }
0x17d: {  	v63 =	vshll.u32 v3, $0x1  }
0x17e: {  	v3 =	vand.u32 $0x7, v3;
	v4 =	vand.u32 $0xFFFFFFF0, v63  }
0x17f: {  	v3 =	vor.u32 v3, v4  }
0x180: {  	v4 =	vperm.xlane v3, v0;
	_ =	sdelay $0x1  }
0x181: {  	v3 =	vperm.xlane v3, v2;
	v4 =	vadd.s32 v1, v4;
	_ =	sdelay $0x1  }
0x182: {  	v3 =	vadd.s32 v1, v3;
	_ =	sdelay $0x2  }
0x183: {  	[tilespmem:s20], [sflag:$0x1] =	stream.indirect_vreg.gather [hbm4b:s1+s3], $0x80, v4, vm0, $0xb8;
	[tilespmem:$0x18200] =	vst v63  }
0x184: {  	_ = 	snop  }
0x185: {  	[tilespmem:s21], [sflag:$0x1] =	stream.indirect_vreg.gather [hbm4b:s1+s3], $0x80, v3, vm0, $0xb8;
	[tilespmem:$0x18200] =	vst v63  }
0x186: {  	_ =	swait.ge [sflag:s31], $0x4000  }
0x187: {  	[sflag:s31] =	ssyncset.done $0x0  }
0x188: {  	s26 =	rddreg [dreg:$0x7];
	[sflag:s31] =	ssyncadd.s32 $0xFFFFC000  }
0x189: {  	[hbm4b:s26+s3] =	stream.linear.scatter [tilespmem:s22], [sflag:$0x2], $0x4000, $0x38;
	[tilespmem:$0x18200] =	vst v63  }
0x18a: {  	_ =	swait.ge [sflag:s31], $0x4000  }
0x18b: {  	[sflag:s31] =	ssyncset.done $0x0  }
0x18c: {  	s26 =	rddreg [dreg:$0x8];
	[sflag:s31] =	ssyncadd.s32 $0xFFFFC000  }
0x18d: {  	[hbm4b:s26+s3] =	stream.linear.scatter [tilespmem:s23], [sflag:$0x2], $0x4000, $0x38;
	[tilespmem:$0x18200] =	vst v63  }
0x18e: {  	_ =	swait.ge [sflag:s31], $0x4000  }
0x18f: {  	[sflag:s31] =	ssyncset.done $0x0  }
0x190: {  	s26 =	rddreg [dreg:$0x9];
	[sflag:s31] =	ssyncadd.s32 $0xFFFFC000  }
0x191: {  	[hbm4b:s26+s3] =	stream.linear.scatter [tilespmem:s24], [sflag:$0x2], $0x4000, $0x38;
	[tilespmem:$0x18200] =	vst v63  }
0x192: {  	_ =	swait.ge [sflag:s31], $0x4000  }
0x193: {  	[sflag:s31] =	ssyncset.done $0x0  }
0x194: {  	s26 =	rddreg [dreg:$0xa];
	[sflag:s31] =	ssyncadd.s32 $0xFFFFC000  }
0x195: {  	[hbm4b:s26+s3] =	stream.linear.scatter [tilespmem:s25], [sflag:$0x2], $0x4000, $0x38;
	[tilespmem:$0x18200] =	vst v63  }
0x196: {  	_ =	swait.ge [sflag:s31], $0x4000  }
0x197: {  	[sflag:s31] =	ssyncset.done $0x0  }
0x198: {  	s26 =	rddreg [dreg:$0xb];
	[sflag:s31] =	ssyncadd.s32 $0xFFFFC000  }
0x199: {  	[hbm4b:s26+s3] =	stream.linear.scatter [tilespmem:s6], [sflag:$0x2], $0x4000, $0x38;
	[tilespmem:$0x18200] =	vst v63  }
0x19a: {  	_ =	swait.ge [sflag:s31], $0x4000  }
0x19b: {  	[sflag:s31] =	ssyncset.done $0x0  }
0x19c: {  	s26 =	rddreg [dreg:$0xc];
	[sflag:s31] =	ssyncadd.s32 $0xFFFFC000  }
0x19d: {  	[hbm4b:s26+s3] =	stream.linear.scatter [tilespmem:s14], [sflag:$0x2], $0x4000, $0x38;
	[tilespmem:$0x18200] =	vst v63  }
0x19e: {  	_ =	swait.ge [sflag:s2], $0x4000  }
0x19f: {  	[sflag:s2] =	ssyncset.done $0x0  }
0x1a0: {  	[sflag:s2] =	ssyncadd.s32 $0xFFFFC000  }
0x1a1: {  	_ =	swait.ge [sflag:s2], $0x4000  }
0x1a2: {  	[sflag:s2] =	ssyncset.done $0x0  }
0x1a3: {  	[sflag:s2] =	ssyncadd.s32 $0xFFFFC000  }
0x1a4: {  	_ =	swait.ge [sflag:s2], $0x4000  }
0x1a5: {  	[sflag:s2] =	ssyncset.done $0x0  }
0x1a6: {  	[sflag:s2] =	ssyncadd.s32 $0xFFFFC000  }
0x1a7: {  	_ =	swait.ge [sflag:s2], $0x4000  }
0x1a8: {  	[sflag:s2] =	ssyncset.done $0x0  }
0x1a9: {  	[sflag:s2] =	ssyncadd.s32 $0xFFFFC000  }
0x1aa: {  	p0 =	sne.s32 s4, $0x1;
	_ =	swait.ge [sflag:s2], $0x4000  }
.Ltmp0:
0x1ab: {  	[sflag:s2] =	ssyncset.done $0x0;
	(pc) =	sbr.rel @p0 .LBB2_1-.Ltmp0, $4  }
0x1ac: {  	[sflag:s2] =	ssyncadd.s32 $0xFFFFC000  }
0x1ad: {  	_ =	swait.ge [sflag:s2], $0x4000  }
0x1ae: {  	[sflag:s2] =	ssyncset.done $0x0  }
0x1af: {  	s4 =	sadd.s32 $0xFFFFFFFF, s4;
	[sflag:s2] =	ssyncadd.s32 $0xFFFFC000  }
0x1b0: {  	_ =	sfence.sel $0x180000  }
0x1b1: {  	[bflag:$0x0] =	sbarrier.arrive $0xFFFF  }
0x1b2: {  	_ =	strace $0x90000047  }
0x1b3: {  	s0 =	stileid.u32;
	[bflag:$0x2] =	sbarrier.arrive $0xFFFF  }
0x1b4: {  	p0 =	sne.s32 s0, $0x0;
	s0 =	rddreg [dreg:$0x3]  }
0x1b5: {  	s0 =	sadd.s32 @!p0 $0x100000, s0  }
0x1b6: {  	[sflag:s0] =	ssyncadd.tile.s32 @!p0 $0x1;
	_ =	shalt  }
.Lfunc_end2:
_tile_overlayer_lowered:
.L_overlay_start_2:
0x1b7: {  	(tag) =	ssettag $0x2  }
0x1b8: {  	s0 =	rddreg [dreg:$0x0];
	s2 =	stileid.u32  }
0x1b9: {  	s1 =	rddreg [dreg:$0x1];
	p0 =	sne.s32 s2, $0x0  }
0x1ba: {  	s3 =	rddreg [dreg:$0x2];
	[bflag:$0x3] =	sbarrier.arrive $0xFFFF;
	s2 =	simm.s32 @!p0 $0x1C03  }
0x1bb: {  	[timem:s3], [sflag:s2] =	dma.local @!p0 [hbm:s0], s1  }
0x1bc: {  	s0 =	simm.s32 @!p0 $0x3  }
0x1bd: {  	_ =	swait.ge @!p0 [sflag:s0], s1  }
0x1be: {  	s1 =	ssub.s32 @!p0 $0x0, s1;
	[sflag:s0] =	ssyncset.done @!p0 $0x0  }
0x1bf: {  	[sflag:s0] =	ssyncadd.s32 @!p0 s1  }
0x1c0: {  	[bflag:$0x3] =	sbarrier.arrive $0xFFFF  }
0x1c1: {  	_ =	shalt  }

</sc_bundles>
